<compile_context>
chip_gen: v7x
topology: tpu7x:2x2x1
jax: 0.10.2.dev20260603
libtpu: 0.0.44.dev20260713+nightly
codegen_flags: <defaults>
</compile_context>

<pallas_src>
import functools

import jax
import jax.numpy as jnp
from jax import lax
from jax.experimental import pallas as pl
from jax.experimental.pallas import tpu as pltpu
from jax.experimental.pallas import tpu_sc as plsc

_B, _L = 64, 2048
_V = 256
_MIN_KEPT = 4

_info = plsc.get_sparse_core_info()
_NC, _NS, _LANES = _info.num_cores, _info.num_subcores, _info.num_lanes
_NW = _NC * _NS
_ROWS_PER_W = _B // _NW
_CHUNKS = _L // _LANES
_HB = _LANES * _V
_WL = _ROWS_PER_W * _L
_WH = _ROWS_PER_W * _HB


def _tables_body(emb_ref, w1_ref, b1_ref, w2_ref, b2_ref, logit_ref):
    h = jnp.dot(emb_ref[...], w1_ref[...], preferred_element_type=jnp.float32)
    h = jnp.maximum(h + b1_ref[...], 0.0)
    logit = jnp.dot(h, w2_ref[...], preferred_element_type=jnp.float32)
    logit_ref[...] = logit + b2_ref[0, 0]


def _masker_tables(emb_m, W1, b1, w2, b2):
    return pl.pallas_call(
        _tables_body,
        out_shape=jax.ShapeDtypeStruct((_V, 1), jnp.float32),
    )(emb_m, W1, b1.reshape(1, -1), w2.reshape(-1, 1), b2.reshape(1, 1))


def _sc_body(ids_hbm, lt_hbm, pt_hbm, zeros_hbm,
             ml_hbm, pp_hbm, h16_hbm,
             ids_v, tab_v, ml_v, pp_v, h16_v,
             sem_misc, sem_ids, sem_out):
    wid = lax.axis_index("s") * _NC + lax.axis_index("c")

    cp_tab = pltpu.async_copy(lt_hbm, tab_v.at[pl.ds(0, _V)], sem_misc)
    cp_tab2 = pltpu.async_copy(pt_hbm, tab_v.at[pl.ds(_V, _V)], sem_misc)
    cp_zero = pltpu.async_copy(zeros_hbm, h16_v, sem_misc)
    row0 = wid * _ROWS_PER_W
    cp_ids = [
        pltpu.async_copy(ids_hbm.at[row0 + r], ids_v.at[pl.ds(r * _L, _L)],
                         sem_ids)
        for r in range(_ROWS_PER_W)
    ]
    cp_tab.wait()
    cp_tab2.wait()
    cp_zero.wait()
    for cp in cp_ids:
        cp.wait()

    lane_off = lax.iota(jnp.int32, _LANES) * _V
    ones = jnp.full((_LANES,), 1.0, jnp.float32)
    out_cps = []
    for r in range(_ROWS_PER_W):
        ib, hb = r * _L, r * _HB
        off = lane_off + hb

        def gather_body(i, _):
            bases = [ib + (i * 16 + u) * _LANES for u in range(16)]
            idxs = [ids_v[pl.ds(b, _LANES)] for b in bases]
            mls = [plsc.load_gather(tab_v, [idx]) for idx in idxs]
            for b, ml in zip(bases, mls):
                ml_v[pl.ds(b, _LANES)] = ml
            pps = [plsc.load_gather(tab_v, [idx + _V]) for idx in idxs]
            for b, pp in zip(bases, pps):
                pp_v[pl.ds(b, _LANES)] = pp
            return 0
        lax.fori_loop(0, _CHUNKS // 16, gather_body, 0)

        def hist_body(j, _):
            bases = [ib + (j * 16 + u) * _LANES for u in range(16)]
            idxs = [ids_v[pl.ds(b, _LANES)] + off for b in bases]
            for idx in idxs:
                plsc.addupdate_scatter(h16_v, [idx], ones)
            return 0
        lax.fori_loop(0, _CHUNKS // 16, hist_body, 0)

        out_cps += [
            pltpu.async_copy(ml_v.at[pl.ds(ib, _L)], ml_hbm.at[row0 + r],
                             sem_out),
            pltpu.async_copy(pp_v.at[pl.ds(ib, _L)], pp_hbm.at[row0 + r],
                             sem_out),
            pltpu.async_copy(h16_v.at[pl.ds(hb, _HB)], h16_hbm.at[row0 + r],
                             sem_out),
        ]
    for cp in out_cps:
        cp.wait()


_sc_stage = functools.partial(
    pl.kernel,
    out_type=[
        jax.ShapeDtypeStruct((_B, _L), jnp.float32),
        jax.ShapeDtypeStruct((_B, _L), jnp.float32),
        jax.ShapeDtypeStruct((_B, _HB), jnp.float32),
    ],
    mesh=plsc.VectorSubcoreMesh(core_axis_name="c", subcore_axis_name="s"),
    compiler_params=pltpu.CompilerParams(needs_layout_passes=False),
    scratch_types=[
        pltpu.VMEM((_WL,), jnp.int32),
        pltpu.VMEM((2 * _V,), jnp.float32),
        pltpu.VMEM((_WL,), jnp.float32),
        pltpu.VMEM((_WL,), jnp.float32),
        pltpu.VMEM((_WH,), jnp.float32),
        pltpu.SemaphoreType.DMA,
        pltpu.SemaphoreType.DMA,
        pltpu.SemaphoreType.DMA,
    ],
)(_sc_body)


def _final_body(h16_ref, keep_ref, pc_ref, pr_ref, embv_ref, wcls_ref, bcls_ref,
                cls_ref, len_ref):
    hist = h16_ref[:, 0:_V]
    for l in range(1, _LANES):
        hist = hist + h16_ref[:, l * _V:(l + 1) * _V]
    kept = hist * keep_ref[...]
    count = jnp.sum(kept, axis=1, keepdims=True)
    pc = pc_ref[...]
    pr = pr_ref[...]
    iu = lax.broadcasted_iota(jnp.int32, (_V, _V), 0)
    iv = lax.broadcasted_iota(jnp.int32, (_V, _V), 1)
    before = jnp.where((pc > pr) | ((pc == pr) & (iu < iv)), 1.0, 0.0)
    cum = jnp.dot(hist, before, preferred_element_type=jnp.float32,
                  precision=lax.Precision.HIGHEST)
    topk_take = jnp.minimum(jnp.maximum(float(_MIN_KEPT) - cum, 0.0), hist)
    use_fb = count < float(_MIN_KEPT)
    w = jnp.where(use_fb, topk_take, kept)
    pooled_sum = jnp.dot(w, embv_ref[...], preferred_element_type=jnp.float32,
                         precision=lax.Precision.HIGHEST)
    lengths = jnp.where(use_fb, float(_MIN_KEPT), count)
    pooled = pooled_sum / jnp.maximum(lengths, 1.0)
    cls = jnp.dot(pooled, wcls_ref[...], preferred_element_type=jnp.float32)
    cls_ref[...] = cls + bcls_ref[0, 0]
    len_ref[...] = lengths.astype(jnp.int32)


def _finalize(h16, keep_row, prob_col, prob_row, emb_v_tail, W_cls_tail, b_cls):
    return pl.pallas_call(
        _final_body,
        out_shape=[
            jax.ShapeDtypeStruct((_B, 1), jnp.float32),
            jax.ShapeDtypeStruct((_B, 1), jnp.int32),
        ],
    )(h16, keep_row, prob_col, prob_row, emb_v_tail, W_cls_tail, b_cls)


def kernel(byte_ids, emb_m, W1, b1, w2, b2, emb_v, W_cls, b_cls):
    ids = jnp.asarray(byte_ids).astype(jnp.int32)
    logit_col = _masker_tables(emb_m, W1, b1, w2, b2)
    logit_tab = logit_col.reshape(_V)
    prob_tab = jax.nn.sigmoid(logit_tab)
    keep_row = (prob_tab > 0.5).astype(jnp.float32).reshape(1, _V)
    zeros_hb = jnp.zeros((_WH,), jnp.float32)

    mask_logits, prune_probs, h16 = _sc_stage(ids, logit_tab, prob_tab,
                                              zeros_hb)

    cls, lengths = _finalize(
        h16, keep_row, prob_tab.reshape(_V, 1),
        prob_tab.reshape(1, _V), emb_v, W_cls[2:, :], b_cls.reshape(1, 1))
    return mask_logits, prune_probs, cls, lengths.reshape(_B)

# --- scband reference (transcript-rebuilt; emitter-appended) ---
"""Pipeline reference for scband-joint-secret-detector-84739704750236 (READ-ONLY COPY).

The authoritative reference and input builder live on the scoring server;
editing this copy changes nothing except your own understanding.
"""

import jax, jax.numpy as jnp
import numpy as np

B, L = 64, 2048
VOCAB = 256
D_M, H_M, D_V = 128, 256, 64
THRESH = 0.5
MIN_KEPT = 4


def setup_inputs(seed: int = 0) -> dict:
    key = jax.random.key(seed)
    ks = jax.random.split(key, 8)
    byte_ids = jax.random.randint(ks[0], (B, L), 0, VOCAB)
    emb_m = jax.random.normal(ks[1], (VOCAB, D_M), dtype=jnp.float32) * 0.02
    W1 = jax.random.normal(ks[2], (D_M, H_M), dtype=jnp.float32) * (1.0 / np.sqrt(D_M))
    b1 = jnp.zeros((H_M,), jnp.float32)
    w2 = jax.random.normal(ks[3], (H_M,), dtype=jnp.float32) * (1.0 / np.sqrt(H_M))
    b2 = jnp.zeros((), jnp.float32)
    emb_v = jax.random.normal(ks[4], (VOCAB, D_V), dtype=jnp.float32) * 0.02
    W_cls = jax.random.normal(ks[5], (2 + D_V, 1), dtype=jnp.float32) * 0.1
    b_cls = jnp.zeros((1,), jnp.float32)
    return {"byte_ids": byte_ids, "emb_m": emb_m, "W1": W1, "b1": b1, "w2": w2, "b2": b2,
            "emb_v": emb_v, "W_cls": W_cls, "b_cls": b_cls}


def _prune_indices(probs):
    # Faithful translation of JointSecretDetector._prune with lengths == L for all rows,
    # expressed as a fixed-shape keep mask over all L positions.
    Bn, Ln = probs.shape
    keep = probs > THRESH
    count = keep.sum(axis=1)
    topk = min(MIN_KEPT, Ln)
    order = jnp.argsort(-probs, axis=1, stable=True)
    rows = jnp.arange(Bn)[:, None]
    fallback = jnp.zeros((Bn, Ln), bool).at[rows, order[:, :topk]].set(True)
    use_fb = count < MIN_KEPT
    final = jnp.where(use_fb[:, None], fallback, keep)
    lengths = jnp.where(use_fb, topk, count).astype(jnp.int32)
    return final.astype(jnp.float32), lengths


def reference(byte_ids, emb_m, W1, b1, w2, b2, emb_v, W_cls, b_cls):
    byte_ids = jnp.asarray(byte_ids)
    Bn = byte_ids.shape[0]
    # ByteMaskerModel: per-position embedding + MLP -> mask logits [B, L]
    x = jnp.take(emb_m, byte_ids, axis=0)          # gather [B, L, D_M]
    h = jax.nn.relu(x @ W1 + b1)                   # [B, L, H_M]
    mask_logits = h @ w2 + b2                      # [B, L]
    prune_probs = jax.nn.sigmoid(mask_logits)
    # _prune: threshold masking with top-k fallback (data-dependent, per example)
    valid_j, lengths = _prune_indices(prune_probs)
    # _compute_features: freq tables are None -> zeros [B, 2]
    features = jnp.zeros((Bn, 2), jnp.float32)
    # ValidatorModel: embed bytes, masked mean pool, concat features, linear head
    ve = jnp.take(emb_v, byte_ids, axis=0)         # [B, L, D_V]
    denom = jnp.maximum(lengths.astype(jnp.float32), 1.0)[:, None]
    pooled = (ve * valid_j[..., None]).sum(axis=1) / denom
    feat = jnp.concatenate([features, pooled], axis=1)  # [B, 2 + D_V]
    cls_logits = feat @ W_cls + b_cls              # [B, 1]
    return mask_logits, prune_probs, cls_logits, jnp.asarray(lengths)

if __name__ == "__main__":
    import jax
    _d = setup_inputs()
    print(jax.jit(kernel)(*tuple(_d.values())))

</pallas_src>

<mosaic_0001>
#map = affine_map<(d0, d1) -> (0, 0)>
#map1 = affine_map<(d0, d1) -> (0)>
module attributes {stable_mosaic.version = 14 : i64} {
  func.func @_sc_body(%arg0: i32, %arg1: i32, %arg2: memref<64x2048xi32, #tpu.memory_space<hbm>>, %arg3: memref<256xf32, #tpu.memory_space<hbm>>, %arg4: memref<256xf32, #tpu.memory_space<hbm>>, %arg5: memref<8192xf32, #tpu.memory_space<hbm>>, %arg6: memref<64x2048xf32, #tpu.memory_space<hbm>>, %arg7: memref<64x2048xf32, #tpu.memory_space<hbm>>, %arg8: memref<64x4096xf32, #tpu.memory_space<hbm>>, %arg9: memref<4096xi32, #tpu.memory_space<vmem>>, %arg10: memref<512xf32, #tpu.memory_space<vmem>>, %arg11: memref<4096xf32, #tpu.memory_space<vmem>>, %arg12: memref<4096xf32, #tpu.memory_space<vmem>>, %arg13: memref<8192xf32, #tpu.memory_space<vmem>>, %arg14: memref<!tpu.dma_semaphore, #tpu.memory_space<semaphore_mem>>, %arg15: memref<!tpu.dma_semaphore, #tpu.memory_space<semaphore_mem>>, %arg16: memref<!tpu.dma_semaphore, #tpu.memory_space<semaphore_mem>>) attributes {dimension_semantics = [#tpu.dimension_semantics<core_parallel>, #tpu.dimension_semantics<subcore_parallel>], iteration_bounds = array<i64: 2, 16>, scalar_prefetch = 0 : i64, scratch_operands = 8 : i64, tpu.core_type = #tpu.core_type<sc_vector_subcore>, window_params = [{transform_indices = #map}, {transform_indices = #map1}, {transform_indices = #map1}, {transform_indices = #map1}, {transform_indices = #map}, {transform_indices = #map}, {transform_indices = #map}]} {
    %mul3A = arith.constant 2 : i32
    %mul3A_0 = arith.muli %arg1, %mul3A : i32
    %add3A = arith.addi %mul3A_0, %arg0 : i32
    %dma_start3A = arith.constant 0 : i32
    %dma_start3A_1 = tpu.memref_slice %arg10[%dma_start3A] : memref<512xf32, #tpu.memory_space<vmem>> -> memref<256xf32, #tpu.memory_space<vmem>>
    %dma_start3A_2 = arith.constant 0 : i32
    %dma_start3A_3 = tpu.memref_slice %arg10[%dma_start3A_2] : memref<512xf32, #tpu.memory_space<vmem>> -> memref<256xf32, #tpu.memory_space<vmem>>
    tpu.enqueue_dma source(%arg3 : memref<256xf32, #tpu.memory_space<hbm>>) target(%dma_start3A_3 : memref<256xf32, #tpu.memory_space<vmem>>) target_semaphore(%arg14 : memref<!tpu.dma_semaphore, #tpu.memory_space<semaphore_mem>>)
    %dma_start3A_4 = arith.constant 256 : i32
    %dma_start3A_5 = tpu.memref_slice %arg10[%dma_start3A_4] : memref<512xf32, #tpu.memory_space<vmem>> -> memref<256xf32, #tpu.memory_space<vmem>>
    %dma_start3A_6 = arith.constant 256 : i32
    %dma_start3A_7 = tpu.memref_slice %arg10[%dma_start3A_6] : memref<512xf32, #tpu.memory_space<vmem>> -> memref<256xf32, #tpu.memory_space<vmem>>
    tpu.enqueue_dma source(%arg4 : memref<256xf32, #tpu.memory_space<hbm>>) target(%dma_start3A_7 : memref<256xf32, #tpu.memory_space<vmem>>) target_semaphore(%arg14 : memref<!tpu.dma_semaphore, #tpu.memory_space<semaphore_mem>>)
    tpu.enqueue_dma source(%arg5 : memref<8192xf32, #tpu.memory_space<hbm>>) target(%arg13 : memref<8192xf32, #tpu.memory_space<vmem>>) target_semaphore(%arg14 : memref<!tpu.dma_semaphore, #tpu.memory_space<semaphore_mem>>)
    %mul3A_8 = arith.constant 2 : i32
    %mul3A_9 = arith.muli %add3A, %mul3A_8 : i32
    %add3A_10 = arith.constant 0 : i32
    %add3A_11 = arith.addi %mul3A_9, %add3A_10 : i32
    %dma_start3A_12 = arith.constant 0 : i32
    %dma_start3A_13 = tpu.memref_slice %arg9[%dma_start3A_12] : memref<4096xi32, #tpu.memory_space<vmem>> -> memref<2048xi32, #tpu.memory_space<vmem>>
    %dma_start3A_14 = arith.constant 0 : i32
    %dma_start3A_15 = tpu.memref_slice %arg2[%add3A_11, %dma_start3A_14] : memref<64x2048xi32, #tpu.memory_space<hbm>> -> memref<1x2048xi32, #tpu.memory_space<hbm>>
    %dma_start3A_16 = tpu.memref_squeeze %dma_start3A_15 : memref<1x2048xi32, #tpu.memory_space<hbm>> -> memref<2048xi32, #tpu.memory_space<hbm>>
    %dma_start3A_17 = arith.constant 0 : i32
    %dma_start3A_18 = tpu.memref_slice %arg9[%dma_start3A_17] : memref<4096xi32, #tpu.memory_space<vmem>> -> memref<2048xi32, #tpu.memory_space<vmem>>
    %dma_start3A_19 = arith.constant 0 : i32
    %dma_start3A_20 = tpu.memref_slice %arg2[%add3A_11, %dma_start3A_19] : memref<64x2048xi32, #tpu.memory_space<hbm>> -> memref<1x2048xi32, #tpu.memory_space<hbm>>
    %dma_start3A_21 = tpu.memref_squeeze %dma_start3A_20 : memref<1x2048xi32, #tpu.memory_space<hbm>> -> memref<2048xi32, #tpu.memory_space<hbm>>
    tpu.enqueue_dma source(%dma_start3A_21 : memref<2048xi32, #tpu.memory_space<hbm>>) target(%dma_start3A_18 : memref<2048xi32, #tpu.memory_space<vmem>>) target_semaphore(%arg15 : memref<!tpu.dma_semaphore, #tpu.memory_space<semaphore_mem>>)
    %add3A_22 = arith.constant 1 : i32
    %add3A_23 = arith.addi %mul3A_9, %add3A_22 : i32
    %dma_start3A_24 = arith.constant 2048 : i32
    %dma_start3A_25 = tpu.memref_slice %arg9[%dma_start3A_24] : memref<4096xi32, #tpu.memory_space<vmem>> -> memref<2048xi32, #tpu.memory_space<vmem>>
    %dma_start3A_26 = arith.constant 0 : i32
    %dma_start3A_27 = tpu.memref_slice %arg2[%add3A_23, %dma_start3A_26] : memref<64x2048xi32, #tpu.memory_space<hbm>> -> memref<1x2048xi32, #tpu.memory_space<hbm>>
    %dma_start3A_28 = tpu.memref_squeeze %dma_start3A_27 : memref<1x2048xi32, #tpu.memory_space<hbm>> -> memref<2048xi32, #tpu.memory_space<hbm>>
    %dma_start3A_29 = arith.constant 2048 : i32
    %dma_start3A_30 = tpu.memref_slice %arg9[%dma_start3A_29] : memref<4096xi32, #tpu.memory_space<vmem>> -> memref<2048xi32, #tpu.memory_space<vmem>>
    %dma_start3A_31 = arith.constant 0 : i32
    %dma_start3A_32 = tpu.memref_slice %arg2[%add3A_23, %dma_start3A_31] : memref<64x2048xi32, #tpu.memory_space<hbm>> -> memref<1x2048xi32, #tpu.memory_space<hbm>>
    %dma_start3A_33 = tpu.memref_squeeze %dma_start3A_32 : memref<1x2048xi32, #tpu.memory_space<hbm>> -> memref<2048xi32, #tpu.memory_space<hbm>>
    tpu.enqueue_dma source(%dma_start3A_33 : memref<2048xi32, #tpu.memory_space<hbm>>) target(%dma_start3A_30 : memref<2048xi32, #tpu.memory_space<vmem>>) target_semaphore(%arg15 : memref<!tpu.dma_semaphore, #tpu.memory_space<semaphore_mem>>)
    %dma_wait3A = arith.constant 0 : i32
    %dma_wait3A_34 = tpu.memref_slice %arg10[%dma_wait3A] : memref<512xf32, #tpu.memory_space<vmem>> -> memref<256xf32, #tpu.memory_space<vmem>>
    %dma_wait3A_35 = arith.constant 0 : i32
    %dma_wait3A_36 = tpu.memref_slice %arg10[%dma_wait3A_35] : memref<512xf32, #tpu.memory_space<vmem>> -> memref<256xf32, #tpu.memory_space<vmem>>
    tpu.wait_dma2 semaphore(%arg14 : memref<!tpu.dma_semaphore, #tpu.memory_space<semaphore_mem>>) src(%arg3 : memref<256xf32, #tpu.memory_space<hbm>>) dst(%dma_wait3A_36 : memref<256xf32, #tpu.memory_space<vmem>>)
    %dma_wait3A_37 = arith.constant 256 : i32
    %dma_wait3A_38 = tpu.memref_slice %arg10[%dma_wait3A_37] : memref<512xf32, #tpu.memory_space<vmem>> -> memref<256xf32, #tpu.memory_space<vmem>>
    %dma_wait3A_39 = arith.constant 256 : i32
    %dma_wait3A_40 = tpu.memref_slice %arg10[%dma_wait3A_39] : memref<512xf32, #tpu.memory_space<vmem>> -> memref<256xf32, #tpu.memory_space<vmem>>
    tpu.wait_dma2 semaphore(%arg14 : memref<!tpu.dma_semaphore, #tpu.memory_space<semaphore_mem>>) src(%arg4 : memref<256xf32, #tpu.memory_space<hbm>>) dst(%dma_wait3A_40 : memref<256xf32, #tpu.memory_space<vmem>>)
    tpu.wait_dma2 semaphore(%arg14 : memref<!tpu.dma_semaphore, #tpu.memory_space<semaphore_mem>>) src(%arg5 : memref<8192xf32, #tpu.memory_space<hbm>>) dst(%arg13 : memref<8192xf32, #tpu.memory_space<vmem>>)
    %dma_wait3A_41 = arith.constant 0 : i32
    %dma_wait3A_42 = tpu.memref_slice %arg9[%dma_wait3A_41] : memref<4096xi32, #tpu.memory_space<vmem>> -> memref<2048xi32, #tpu.memory_space<vmem>>
    %dma_wait3A_43 = arith.constant 0 : i32
    %dma_wait3A_44 = tpu.memref_slice %arg2[%add3A_11, %dma_wait3A_43] : memref<64x2048xi32, #tpu.memory_space<hbm>> -> memref<1x2048xi32, #tpu.memory_space<hbm>>
    %dma_wait3A_45 = tpu.memref_squeeze %dma_wait3A_44 : memref<1x2048xi32, #tpu.memory_space<hbm>> -> memref<2048xi32, #tpu.memory_space<hbm>>
    %dma_wait3A_46 = arith.constant 0 : i32
    %dma_wait3A_47 = tpu.memref_slice %arg9[%dma_wait3A_46] : memref<4096xi32, #tpu.memory_space<vmem>> -> memref<2048xi32, #tpu.memory_space<vmem>>
    %dma_wait3A_48 = arith.constant 0 : i32
    %dma_wait3A_49 = tpu.memref_slice %arg2[%add3A_11, %dma_wait3A_48] : memref<64x2048xi32, #tpu.memory_space<hbm>> -> memref<1x2048xi32, #tpu.memory_space<hbm>>
    %dma_wait3A_50 = tpu.memref_squeeze %dma_wait3A_49 : memref<1x2048xi32, #tpu.memory_space<hbm>> -> memref<2048xi32, #tpu.memory_space<hbm>>
    tpu.wait_dma2 semaphore(%arg15 : memref<!tpu.dma_semaphore, #tpu.memory_space<semaphore_mem>>) src(%dma_wait3A_50 : memref<2048xi32, #tpu.memory_space<hbm>>) dst(%dma_wait3A_47 : memref<2048xi32, #tpu.memory_space<vmem>>)
    %dma_wait3A_51 = arith.constant 2048 : i32
    %dma_wait3A_52 = tpu.memref_slice %arg9[%dma_wait3A_51] : memref<4096xi32, #tpu.memory_space<vmem>> -> memref<2048xi32, #tpu.memory_space<vmem>>
    %dma_wait3A_53 = arith.constant 0 : i32
    %dma_wait3A_54 = tpu.memref_slice %arg2[%add3A_23, %dma_wait3A_53] : memref<64x2048xi32, #tpu.memory_space<hbm>> -> memref<1x2048xi32, #tpu.memory_space<hbm>>
    %dma_wait3A_55 = tpu.memref_squeeze %dma_wait3A_54 : memref<1x2048xi32, #tpu.memory_space<hbm>> -> memref<2048xi32, #tpu.memory_space<hbm>>
    %dma_wait3A_56 = arith.constant 2048 : i32
    %dma_wait3A_57 = tpu.memref_slice %arg9[%dma_wait3A_56] : memref<4096xi32, #tpu.memory_space<vmem>> -> memref<2048xi32, #tpu.memory_space<vmem>>
    %dma_wait3A_58 = arith.constant 0 : i32
    %dma_wait3A_59 = tpu.memref_slice %arg2[%add3A_23, %dma_wait3A_58] : memref<64x2048xi32, #tpu.memory_space<hbm>> -> memref<1x2048xi32, #tpu.memory_space<hbm>>
    %dma_wait3A_60 = tpu.memref_squeeze %dma_wait3A_59 : memref<1x2048xi32, #tpu.memory_space<hbm>> -> memref<2048xi32, #tpu.memory_space<hbm>>
    tpu.wait_dma2 semaphore(%arg15 : memref<!tpu.dma_semaphore, #tpu.memory_space<semaphore_mem>>) src(%dma_wait3A_60 : memref<2048xi32, #tpu.memory_space<hbm>>) dst(%dma_wait3A_57 : memref<2048xi32, #tpu.memory_space<vmem>>)
    %iota3A = tpu.iota {dimensions = array<i32: 0>} : vector<16xi32>
    %mul3A_61 = arith.constant 256 : i32
    %mul3A_62 = vector.broadcast %mul3A_61 : i32 to vector<16xi32>
    %mul3A_63 = arith.muli %iota3A, %mul3A_62 : vector<16xi32>
    %broadcast_in_dim3A = arith.constant 1.000000e+00 : f32
    %broadcast_in_dim3A_64 = vector.broadcast %broadcast_in_dim3A : f32 to vector<16xf32>
    %add3A_65 = arith.constant 0 : i32
    %add3A_66 = vector.broadcast %add3A_65 : i32 to vector<16xi32>
    %add3A_67 = arith.addi %mul3A_63, %add3A_66 : vector<16xi32>
    %scan3A = arith.constant 0 : i32
    %scan3A_68 = arith.constant 0 : i32
    %scan3A_69 = arith.constant 8 : i32
    %scan3A_70 = arith.addi %scan3A_68, %scan3A_69 : i32
    %scan3A_71 = arith.constant 1 : i32
    %scan3A_72 = scf.for %scan3A_230 = %scan3A_68 to %scan3A_70 step %scan3A_71 iter_args(%scan3A_231 = %scan3A) -> (i32)  : i32 {
      %mul3A_232 = arith.constant 16 : i32
      %mul3A_233 = arith.muli %scan3A_230, %mul3A_232 : i32
      %add3A_234 = arith.constant 0 : i32
      %add3A_235 = arith.addi %mul3A_233, %add3A_234 : i32
      %mul3A_236 = arith.constant 16 : i32
      %mul3A_237 = arith.muli %add3A_235, %mul3A_236 : i32
      %add3A_238 = arith.constant 0 : i32
      %add3A_239 = arith.addi %add3A_238, %mul3A_237 : i32
      %mul3A_240 = arith.constant 16 : i32
      %mul3A_241 = arith.muli %scan3A_230, %mul3A_240 : i32
      %add3A_242 = arith.constant 1 : i32
      %add3A_243 = arith.addi %mul3A_241, %add3A_242 : i32
      %mul3A_244 = arith.constant 16 : i32
      %mul3A_245 = arith.muli %add3A_243, %mul3A_244 : i32
      %add3A_246 = arith.constant 0 : i32
      %add3A_247 = arith.addi %add3A_246, %mul3A_245 : i32
      %mul3A_248 = arith.constant 16 : i32
      %mul3A_249 = arith.muli %scan3A_230, %mul3A_248 : i32
      %add3A_250 = arith.constant 2 : i32
      %add3A_251 = arith.addi %mul3A_249, %add3A_250 : i32
      %mul3A_252 = arith.constant 16 : i32
      %mul3A_253 = arith.muli %add3A_251, %mul3A_252 : i32
      %add3A_254 = arith.constant 0 : i32
      %add3A_255 = arith.addi %add3A_254, %mul3A_253 : i32
      %mul3A_256 = arith.constant 16 : i32
      %mul3A_257 = arith.muli %scan3A_230, %mul3A_256 : i32
      %add3A_258 = arith.constant 3 : i32
      %add3A_259 = arith.addi %mul3A_257, %add3A_258 : i32
      %mul3A_260 = arith.constant 16 : i32
      %mul3A_261 = arith.muli %add3A_259, %mul3A_260 : i32
      %add3A_262 = arith.constant 0 : i32
      %add3A_263 = arith.addi %add3A_262, %mul3A_261 : i32
      %mul3A_264 = arith.constant 16 : i32
      %mul3A_265 = arith.muli %scan3A_230, %mul3A_264 : i32
      %add3A_266 = arith.constant 4 : i32
      %add3A_267 = arith.addi %mul3A_265, %add3A_266 : i32
      %mul3A_268 = arith.constant 16 : i32
      %mul3A_269 = arith.muli %add3A_267, %mul3A_268 : i32
      %add3A_270 = arith.constant 0 : i32
      %add3A_271 = arith.addi %add3A_270, %mul3A_269 : i32
      %mul3A_272 = arith.constant 16 : i32
      %mul3A_273 = arith.muli %scan3A_230, %mul3A_272 : i32
      %add3A_274 = arith.constant 5 : i32
      %add3A_275 = arith.addi %mul3A_273, %add3A_274 : i32
      %mul3A_276 = arith.constant 16 : i32
      %mul3A_277 = arith.muli %add3A_275, %mul3A_276 : i32
      %add3A_278 = arith.constant 0 : i32
      %add3A_279 = arith.addi %add3A_278, %mul3A_277 : i32
      %mul3A_280 = arith.constant 16 : i32
      %mul3A_281 = arith.muli %scan3A_230, %mul3A_280 : i32
      %add3A_282 = arith.constant 6 : i32
      %add3A_283 = arith.addi %mul3A_281, %add3A_282 : i32
      %mul3A_284 = arith.constant 16 : i32
      %mul3A_285 = arith.muli %add3A_283, %mul3A_284 : i32
      %add3A_286 = arith.constant 0 : i32
      %add3A_287 = arith.addi %add3A_286, %mul3A_285 : i32
      %mul3A_288 = arith.constant 16 : i32
      %mul3A_289 = arith.muli %scan3A_230, %mul3A_288 : i32
      %add3A_290 = arith.constant 7 : i32
      %add3A_291 = arith.addi %mul3A_289, %add3A_290 : i32
      %mul3A_292 = arith.constant 16 : i32
      %mul3A_293 = arith.muli %add3A_291, %mul3A_292 : i32
      %add3A_294 = arith.constant 0 : i32
      %add3A_295 = arith.addi %add3A_294, %mul3A_293 : i32
      %mul3A_296 = arith.constant 16 : i32
      %mul3A_297 = arith.muli %scan3A_230, %mul3A_296 : i32
      %add3A_298 = arith.constant 8 : i32
      %add3A_299 = arith.addi %mul3A_297, %add3A_298 : i32
      %mul3A_300 = arith.constant 16 : i32
      %mul3A_301 = arith.muli %add3A_299, %mul3A_300 : i32
      %add3A_302 = arith.constant 0 : i32
      %add3A_303 = arith.addi %add3A_302, %mul3A_301 : i32
      %mul3A_304 = arith.constant 16 : i32
      %mul3A_305 = arith.muli %scan3A_230, %mul3A_304 : i32
      %add3A_306 = arith.constant 9 : i32
      %add3A_307 = arith.addi %mul3A_305, %add3A_306 : i32
      %mul3A_308 = arith.constant 16 : i32
      %mul3A_309 = arith.muli %add3A_307, %mul3A_308 : i32
      %add3A_310 = arith.constant 0 : i32
      %add3A_311 = arith.addi %add3A_310, %mul3A_309 : i32
      %mul3A_312 = arith.constant 16 : i32
      %mul3A_313 = arith.muli %scan3A_230, %mul3A_312 : i32
      %add3A_314 = arith.constant 10 : i32
      %add3A_315 = arith.addi %mul3A_313, %add3A_314 : i32
      %mul3A_316 = arith.constant 16 : i32
      %mul3A_317 = arith.muli %add3A_315, %mul3A_316 : i32
      %add3A_318 = arith.constant 0 : i32
      %add3A_319 = arith.addi %add3A_318, %mul3A_317 : i32
      %mul3A_320 = arith.constant 16 : i32
      %mul3A_321 = arith.muli %scan3A_230, %mul3A_320 : i32
      %add3A_322 = arith.constant 11 : i32
      %add3A_323 = arith.addi %mul3A_321, %add3A_322 : i32
      %mul3A_324 = arith.constant 16 : i32
      %mul3A_325 = arith.muli %add3A_323, %mul3A_324 : i32
      %add3A_326 = arith.constant 0 : i32
      %add3A_327 = arith.addi %add3A_326, %mul3A_325 : i32
      %mul3A_328 = arith.constant 16 : i32
      %mul3A_329 = arith.muli %scan3A_230, %mul3A_328 : i32
      %add3A_330 = arith.constant 12 : i32
      %add3A_331 = arith.addi %mul3A_329, %add3A_330 : i32
      %mul3A_332 = arith.constant 16 : i32
      %mul3A_333 = arith.muli %add3A_331, %mul3A_332 : i32
      %add3A_334 = arith.constant 0 : i32
      %add3A_335 = arith.addi %add3A_334, %mul3A_333 : i32
      %mul3A_336 = arith.constant 16 : i32
      %mul3A_337 = arith.muli %scan3A_230, %mul3A_336 : i32
      %add3A_338 = arith.constant 13 : i32
      %add3A_339 = arith.addi %mul3A_337, %add3A_338 : i32
      %mul3A_340 = arith.constant 16 : i32
      %mul3A_341 = arith.muli %add3A_339, %mul3A_340 : i32
      %add3A_342 = arith.constant 0 : i32
      %add3A_343 = arith.addi %add3A_342, %mul3A_341 : i32
      %mul3A_344 = arith.constant 16 : i32
      %mul3A_345 = arith.muli %scan3A_230, %mul3A_344 : i32
      %add3A_346 = arith.constant 14 : i32
      %add3A_347 = arith.addi %mul3A_345, %add3A_346 : i32
      %mul3A_348 = arith.constant 16 : i32
      %mul3A_349 = arith.muli %add3A_347, %mul3A_348 : i32
      %add3A_350 = arith.constant 0 : i32
      %add3A_351 = arith.addi %add3A_350, %mul3A_349 : i32
      %mul3A_352 = arith.constant 16 : i32
      %mul3A_353 = arith.muli %scan3A_230, %mul3A_352 : i32
      %add3A_354 = arith.constant 15 : i32
      %add3A_355 = arith.addi %mul3A_353, %add3A_354 : i32
      %mul3A_356 = arith.constant 16 : i32
      %mul3A_357 = arith.muli %add3A_355, %mul3A_356 : i32
      %add3A_358 = arith.constant 0 : i32
      %add3A_359 = arith.addi %add3A_358, %mul3A_357 : i32
      %get3A = arith.index_cast %add3A_239 : i32 to index
      %get3A_360 = tpu.vector_load %arg9[%get3A] {strides = array<i32>} : memref<4096xi32, #tpu.memory_space<vmem>>, vector<16xi32>,
      %get3A_361 = arith.index_cast %add3A_247 : i32 to index
      %get3A_362 = tpu.vector_load %arg9[%get3A_361] {strides = array<i32>} : memref<4096xi32, #tpu.memory_space<vmem>>, vector<16xi32>,
      %get3A_363 = arith.index_cast %add3A_255 : i32 to index
      %get3A_364 = tpu.vector_load %arg9[%get3A_363] {strides = array<i32>} : memref<4096xi32, #tpu.memory_space<vmem>>, vector<16xi32>,
      %get3A_365 = arith.index_cast %add3A_263 : i32 to index
      %get3A_366 = tpu.vector_load %arg9[%get3A_365] {strides = array<i32>} : memref<4096xi32, #tpu.memory_space<vmem>>, vector<16xi32>,
      %get3A_367 = arith.index_cast %add3A_271 : i32 to index
      %get3A_368 = tpu.vector_load %arg9[%get3A_367] {strides = array<i32>} : memref<4096xi32, #tpu.memory_space<vmem>>, vector<16xi32>,
      %get3A_369 = arith.index_cast %add3A_279 : i32 to index
      %get3A_370 = tpu.vector_load %arg9[%get3A_369] {strides = array<i32>} : memref<4096xi32, #tpu.memory_space<vmem>>, vector<16xi32>,
      %get3A_371 = arith.index_cast %add3A_287 : i32 to index
      %get3A_372 = tpu.vector_load %arg9[%get3A_371] {strides = array<i32>} : memref<4096xi32, #tpu.memory_space<vmem>>, vector<16xi32>,
      %get3A_373 = arith.index_cast %add3A_295 : i32 to index
      %get3A_374 = tpu.vector_load %arg9[%get3A_373] {strides = array<i32>} : memref<4096xi32, #tpu.memory_space<vmem>>, vector<16xi32>,
      %get3A_375 = arith.index_cast %add3A_303 : i32 to index
      %get3A_376 = tpu.vector_load %arg9[%get3A_375] {strides = array<i32>} : memref<4096xi32, #tpu.memory_space<vmem>>, vector<16xi32>,
      %get3A_377 = arith.index_cast %add3A_311 : i32 to index
      %get3A_378 = tpu.vector_load %arg9[%get3A_377] {strides = array<i32>} : memref<4096xi32, #tpu.memory_space<vmem>>, vector<16xi32>,
      %get3A_379 = arith.index_cast %add3A_319 : i32 to index
      %get3A_380 = tpu.vector_load %arg9[%get3A_379] {strides = array<i32>} : memref<4096xi32, #tpu.memory_space<vmem>>, vector<16xi32>,
      %get3A_381 = arith.index_cast %add3A_327 : i32 to index
      %get3A_382 = tpu.vector_load %arg9[%get3A_381] {strides = array<i32>} : memref<4096xi32, #tpu.memory_space<vmem>>, vector<16xi32>,
      %get3A_383 = arith.index_cast %add3A_335 : i32 to index
      %get3A_384 = tpu.vector_load %arg9[%get3A_383] {strides = array<i32>} : memref<4096xi32, #tpu.memory_space<vmem>>, vector<16xi32>,
      %get3A_385 = arith.index_cast %add3A_343 : i32 to index
      %get3A_386 = tpu.vector_load %arg9[%get3A_385] {strides = array<i32>} : memref<4096xi32, #tpu.memory_space<vmem>>, vector<16xi32>,
      %get3A_387 = arith.index_cast %add3A_351 : i32 to index
      %get3A_388 = tpu.vector_load %arg9[%get3A_387] {strides = array<i32>} : memref<4096xi32, #tpu.memory_space<vmem>>, vector<16xi32>,
      %get3A_389 = arith.index_cast %add3A_359 : i32 to index
      %get3A_390 = tpu.vector_load %arg9[%get3A_389] {strides = array<i32>} : memref<4096xi32, #tpu.memory_space<vmem>>, vector<16xi32>,
      %gather3A = tpu.vector_load_idx %arg10[%get3A_360] : memref<512xf32, #tpu.memory_space<vmem>>[vector<16xi32>], vector<16xf32>,
      %gather3A_391 = tpu.vector_load_idx %arg10[%get3A_362] : memref<512xf32, #tpu.memory_space<vmem>>[vector<16xi32>], vector<16xf32>,
      %gather3A_392 = tpu.vector_load_idx %arg10[%get3A_364] : memref<512xf32, #tpu.memory_space<vmem>>[vector<16xi32>], vector<16xf32>,
      %gather3A_393 = tpu.vector_load_idx %arg10[%get3A_366] : memref<512xf32, #tpu.memory_space<vmem>>[vector<16xi32>], vector<16xf32>,
      %gather3A_394 = tpu.vector_load_idx %arg10[%get3A_368] : memref<512xf32, #tpu.memory_space<vmem>>[vector<16xi32>], vector<16xf32>,
      %gather3A_395 = tpu.vector_load_idx %arg10[%get3A_370] : memref<512xf32, #tpu.memory_space<vmem>>[vector<16xi32>], vector<16xf32>,
      %gather3A_396 = tpu.vector_load_idx %arg10[%get3A_372] : memref<512xf32, #tpu.memory_space<vmem>>[vector<16xi32>], vector<16xf32>,
      %gather3A_397 = tpu.vector_load_idx %arg10[%get3A_374] : memref<512xf32, #tpu.memory_space<vmem>>[vector<16xi32>], vector<16xf32>,
      %gather3A_398 = tpu.vector_load_idx %arg10[%get3A_376] : memref<512xf32, #tpu.memory_space<vmem>>[vector<16xi32>], vector<16xf32>,
      %gather3A_399 = tpu.vector_load_idx %arg10[%get3A_378] : memref<512xf32, #tpu.memory_space<vmem>>[vector<16xi32>], vector<16xf32>,
      %gather3A_400 = tpu.vector_load_idx %arg10[%get3A_380] : memref<512xf32, #tpu.memory_space<vmem>>[vector<16xi32>], vector<16xf32>,
      %gather3A_401 = tpu.vector_load_idx %arg10[%get3A_382] : memref<512xf32, #tpu.memory_space<vmem>>[vector<16xi32>], vector<16xf32>,
      %gather3A_402 = tpu.vector_load_idx %arg10[%get3A_384] : memref<512xf32, #tpu.memory_space<vmem>>[vector<16xi32>], vector<16xf32>,
      %gather3A_403 = tpu.vector_load_idx %arg10[%get3A_386] : memref<512xf32, #tpu.memory_space<vmem>>[vector<16xi32>], vector<16xf32>,
      %gather3A_404 = tpu.vector_load_idx %arg10[%get3A_388] : memref<512xf32, #tpu.memory_space<vmem>>[vector<16xi32>], vector<16xf32>,
      %gather3A_405 = tpu.vector_load_idx %arg10[%get3A_390] : memref<512xf32, #tpu.memory_space<vmem>>[vector<16xi32>], vector<16xf32>,
      %swap3A = arith.index_cast %add3A_239 : i32 to index
      %swap3A_406 = tpu.vector_load %arg11[%swap3A] {strides = array<i32>} : memref<4096xf32, #tpu.memory_space<vmem>>, vector<16xf32>,
      tpu.vector_store %arg11[%swap3A], %gather3A {strides = array<i32>} : memref<4096xf32, #tpu.memory_space<vmem>>, vector<16xf32>,
      %swap3A_407 = arith.index_cast %add3A_247 : i32 to index
      %swap3A_408 = tpu.vector_load %arg11[%swap3A_407] {strides = array<i32>} : memref<4096xf32, #tpu.memory_space<vmem>>, vector<16xf32>,
      tpu.vector_store %arg11[%swap3A_407], %gather3A_391 {strides = array<i32>} : memref<4096xf32, #tpu.memory_space<vmem>>, vector<16xf32>,
      %swap3A_409 = arith.index_cast %add3A_255 : i32 to index
      %swap3A_410 = tpu.vector_load %arg11[%swap3A_409] {strides = array<i32>} : memref<4096xf32, #tpu.memory_space<vmem>>, vector<16xf32>,
      tpu.vector_store %arg11[%swap3A_409], %gather3A_392 {strides = array<i32>} : memref<4096xf32, #tpu.memory_space<vmem>>, vector<16xf32>,
      %swap3A_411 = arith.index_cast %add3A_263 : i32 to index
      %swap3A_412 = tpu.vector_load %arg11[%swap3A_411] {strides = array<i32>} : memref<4096xf32, #tpu.memory_space<vmem>>, vector<16xf32>,
      tpu.vector_store %arg11[%swap3A_411], %gather3A_393 {strides = array<i32>} : memref<4096xf32, #tpu.memory_space<vmem>>, vector<16xf32>,
      %swap3A_413 = arith.index_cast %add3A_271 : i32 to index
      %swap3A_414 = tpu.vector_load %arg11[%swap3A_413] {strides = array<i32>} : memref<4096xf32, #tpu.memory_space<vmem>>, vector<16xf32>,
      tpu.vector_store %arg11[%swap3A_413], %gather3A_394 {strides = array<i32>} : memref<4096xf32, #tpu.memory_space<vmem>>, vector<16xf32>,
      %swap3A_415 = arith.index_cast %add3A_279 : i32 to index
      %swap3A_416 = tpu.vector_load %arg11[%swap3A_415] {strides = array<i32>} : memref<4096xf32, #tpu.memory_space<vmem>>, vector<16xf32>,
      tpu.vector_store %arg11[%swap3A_415], %gather3A_395 {strides = array<i32>} : memref<4096xf32, #tpu.memory_space<vmem>>, vector<16xf32>,
      %swap3A_417 = arith.index_cast %add3A_287 : i32 to index
      %swap3A_418 = tpu.vector_load %arg11[%swap3A_417] {strides = array<i32>} : memref<4096xf32, #tpu.memory_space<vmem>>, vector<16xf32>,
      tpu.vector_store %arg11[%swap3A_417], %gather3A_396 {strides = array<i32>} : memref<4096xf32, #tpu.memory_space<vmem>>, vector<16xf32>,
      %swap3A_419 = arith.index_cast %add3A_295 : i32 to index
      %swap3A_420 = tpu.vector_load %arg11[%swap3A_419] {strides = array<i32>} : memref<4096xf32, #tpu.memory_space<vmem>>, vector<16xf32>,
      tpu.vector_store %arg11[%swap3A_419], %gather3A_397 {strides = array<i32>} : memref<4096xf32, #tpu.memory_space<vmem>>, vector<16xf32>,
      %swap3A_421 = arith.index_cast %add3A_303 : i32 to index
      %swap3A_422 = tpu.vector_load %arg11[%swap3A_421] {strides = array<i32>} : memref<4096xf32, #tpu.memory_space<vmem>>, vector<16xf32>,
      tpu.vector_store %arg11[%swap3A_421], %gather3A_398 {strides = array<i32>} : memref<4096xf32, #tpu.memory_space<vmem>>, vector<16xf32>,
      %swap3A_423 = arith.index_cast %add3A_311 : i32 to index
      %swap3A_424 = tpu.vector_load %arg11[%swap3A_423] {strides = array<i32>} : memref<4096xf32, #tpu.memory_space<vmem>>, vector<16xf32>,
      tpu.vector_store %arg11[%swap3A_423], %gather3A_399 {strides = array<i32>} : memref<4096xf32, #tpu.memory_space<vmem>>, vector<16xf32>,
      %swap3A_425 = arith.index_cast %add3A_319 : i32 to index
      %swap3A_426 = tpu.vector_load %arg11[%swap3A_425] {strides = array<i32>} : memref<4096xf32, #tpu.memory_space<vmem>>, vector<16xf32>,
      tpu.vector_store %arg11[%swap3A_425], %gather3A_400 {strides = array<i32>} : memref<4096xf32, #tpu.memory_space<vmem>>, vector<16xf32>,
      %swap3A_427 = arith.index_cast %add3A_327 : i32 to index
      %swap3A_428 = tpu.vector_load %arg11[%swap3A_427] {strides = array<i32>} : memref<4096xf32, #tpu.memory_space<vmem>>, vector<16xf32>,
      tpu.vector_store %arg11[%swap3A_427], %gather3A_401 {strides = array<i32>} : memref<4096xf32, #tpu.memory_space<vmem>>, vector<16xf32>,
      %swap3A_429 = arith.index_cast %add3A_335 : i32 to index
      %swap3A_430 = tpu.vector_load %arg11[%swap3A_429] {strides = array<i32>} : memref<4096xf32, #tpu.memory_space<vmem>>, vector<16xf32>,
      tpu.vector_store %arg11[%swap3A_429], %gather3A_402 {strides = array<i32>} : memref<4096xf32, #tpu.memory_space<vmem>>, vector<16xf32>,
      %swap3A_431 = arith.index_cast %add3A_343 : i32 to index
      %swap3A_432 = tpu.vector_load %arg11[%swap3A_431] {strides = array<i32>} : memref<4096xf32, #tpu.memory_space<vmem>>, vector<16xf32>,
      tpu.vector_store %arg11[%swap3A_431], %gather3A_403 {strides = array<i32>} : memref<4096xf32, #tpu.memory_space<vmem>>, vector<16xf32>,
      %swap3A_433 = arith.index_cast %add3A_351 : i32 to index
      %swap3A_434 = tpu.vector_load %arg11[%swap3A_433] {strides = array<i32>} : memref<4096xf32, #tpu.memory_space<vmem>>, vector<16xf32>,
      tpu.vector_store %arg11[%swap3A_433], %gather3A_404 {strides = array<i32>} : memref<4096xf32, #tpu.memory_space<vmem>>, vector<16xf32>,
      %swap3A_435 = arith.index_cast %add3A_359 : i32 to index
      %swap3A_436 = tpu.vector_load %arg11[%swap3A_435] {strides = array<i32>} : memref<4096xf32, #tpu.memory_space<vmem>>, vector<16xf32>,
      tpu.vector_store %arg11[%swap3A_435], %gather3A_405 {strides = array<i32>} : memref<4096xf32, #tpu.memory_space<vmem>>, vector<16xf32>,
      %add3A_437 = arith.constant 256 : i32
      %add3A_438 = vector.broadcast %add3A_437 : i32 to vector<16xi32>
      %add3A_439 = arith.addi %get3A_360, %add3A_438 : vector<16xi32>
      %gather3A_440 = tpu.vector_load_idx %arg10[%add3A_439] : memref<512xf32, #tpu.memory_space<vmem>>[vector<16xi32>], vector<16xf32>,
      %add3A_441 = arith.constant 256 : i32
      %add3A_442 = vector.broadcast %add3A_441 : i32 to vector<16xi32>
      %add3A_443 = arith.addi %get3A_362, %add3A_442 : vector<16xi32>
      %gather3A_444 = tpu.vector_load_idx %arg10[%add3A_443] : memref<512xf32, #tpu.memory_space<vmem>>[vector<16xi32>], vector<16xf32>,
      %add3A_445 = arith.constant 256 : i32
      %add3A_446 = vector.broadcast %add3A_445 : i32 to vector<16xi32>
      %add3A_447 = arith.addi %get3A_364, %add3A_446 : vector<16xi32>
      %gather3A_448 = tpu.vector_load_idx %arg10[%add3A_447] : memref<512xf32, #tpu.memory_space<vmem>>[vector<16xi32>], vector<16xf32>,
      %add3A_449 = arith.constant 256 : i32
      %add3A_450 = vector.broadcast %add3A_449 : i32 to vector<16xi32>
      %add3A_451 = arith.addi %get3A_366, %add3A_450 : vector<16xi32>
      %gather3A_452 = tpu.vector_load_idx %arg10[%add3A_451] : memref<512xf32, #tpu.memory_space<vmem>>[vector<16xi32>], vector<16xf32>,
      %add3A_453 = arith.constant 256 : i32
      %add3A_454 = vector.broadcast %add3A_453 : i32 to vector<16xi32>
      %add3A_455 = arith.addi %get3A_368, %add3A_454 : vector<16xi32>
      %gather3A_456 = tpu.vector_load_idx %arg10[%add3A_455] : memref<512xf32, #tpu.memory_space<vmem>>[vector<16xi32>], vector<16xf32>,
      %add3A_457 = arith.constant 256 : i32
      %add3A_458 = vector.broadcast %add3A_457 : i32 to vector<16xi32>
      %add3A_459 = arith.addi %get3A_370, %add3A_458 : vector<16xi32>
      %gather3A_460 = tpu.vector_load_idx %arg10[%add3A_459] : memref<512xf32, #tpu.memory_space<vmem>>[vector<16xi32>], vector<16xf32>,
      %add3A_461 = arith.constant 256 : i32
      %add3A_462 = vector.broadcast %add3A_461 : i32 to vector<16xi32>
      %add3A_463 = arith.addi %get3A_372, %add3A_462 : vector<16xi32>
      %gather3A_464 = tpu.vector_load_idx %arg10[%add3A_463] : memref<512xf32, #tpu.memory_space<vmem>>[vector<16xi32>], vector<16xf32>,
      %add3A_465 = arith.constant 256 : i32
      %add3A_466 = vector.broadcast %add3A_465 : i32 to vector<16xi32>
      %add3A_467 = arith.addi %get3A_374, %add3A_466 : vector<16xi32>
      %gather3A_468 = tpu.vector_load_idx %arg10[%add3A_467] : memref<512xf32, #tpu.memory_space<vmem>>[vector<16xi32>], vector<16xf32>,
      %add3A_469 = arith.constant 256 : i32
      %add3A_470 = vector.broadcast %add3A_469 : i32 to vector<16xi32>
      %add3A_471 = arith.addi %get3A_376, %add3A_470 : vector<16xi32>
      %gather3A_472 = tpu.vector_load_idx %arg10[%add3A_471] : memref<512xf32, #tpu.memory_space<vmem>>[vector<16xi32>], vector<16xf32>,
      %add3A_473 = arith.constant 256 : i32
      %add3A_474 = vector.broadcast %add3A_473 : i32 to vector<16xi32>
      %add3A_475 = arith.addi %get3A_378, %add3A_474 : vector<16xi32>
      %gather3A_476 = tpu.vector_load_idx %arg10[%add3A_475] : memref<512xf32, #tpu.memory_space<vmem>>[vector<16xi32>], vector<16xf32>,
      %add3A_477 = arith.constant 256 : i32
      %add3A_478 = vector.broadcast %add3A_477 : i32 to vector<16xi32>
      %add3A_479 = arith.addi %get3A_380, %add3A_478 : vector<16xi32>
      %gather3A_480 = tpu.vector_load_idx %arg10[%add3A_479] : memref<512xf32, #tpu.memory_space<vmem>>[vector<16xi32>], vector<16xf32>,
      %add3A_481 = arith.constant 256 : i32
      %add3A_482 = vector.broadcast %add3A_481 : i32 to vector<16xi32>
      %add3A_483 = arith.addi %get3A_382, %add3A_482 : vector<16xi32>
      %gather3A_484 = tpu.vector_load_idx %arg10[%add3A_483] : memref<512xf32, #tpu.memory_space<vmem>>[vector<16xi32>], vector<16xf32>,
      %add3A_485 = arith.constant 256 : i32
      %add3A_486 = vector.broadcast %add3A_485 : i32 to vector<16xi32>
      %add3A_487 = arith.addi %get3A_384, %add3A_486 : vector<16xi32>
      %gather3A_488 = tpu.vector_load_idx %arg10[%add3A_487] : memref<512xf32, #tpu.memory_space<vmem>>[vector<16xi32>], vector<16xf32>,
      %add3A_489 = arith.constant 256 : i32
      %add3A_490 = vector.broadcast %add3A_489 : i32 to vector<16xi32>
      %add3A_491 = arith.addi %get3A_386, %add3A_490 : vector<16xi32>
      %gather3A_492 = tpu.vector_load_idx %arg10[%add3A_491] : memref<512xf32, #tpu.memory_space<vmem>>[vector<16xi32>], vector<16xf32>,
      %add3A_493 = arith.constant 256 : i32
      %add3A_494 = vector.broadcast %add3A_493 : i32 to vector<16xi32>
      %add3A_495 = arith.addi %get3A_388, %add3A_494 : vector<16xi32>
      %gather3A_496 = tpu.vector_load_idx %arg10[%add3A_495] : memref<512xf32, #tpu.memory_space<vmem>>[vector<16xi32>], vector<16xf32>,
      %add3A_497 = arith.constant 256 : i32
      %add3A_498 = vector.broadcast %add3A_497 : i32 to vector<16xi32>
      %add3A_499 = arith.addi %get3A_390, %add3A_498 : vector<16xi32>
      %gather3A_500 = tpu.vector_load_idx %arg10[%add3A_499] : memref<512xf32, #tpu.memory_space<vmem>>[vector<16xi32>], vector<16xf32>,
      %swap3A_501 = arith.index_cast %add3A_239 : i32 to index
      %swap3A_502 = tpu.vector_load %arg12[%swap3A_501] {strides = array<i32>} : memref<4096xf32, #tpu.memory_space<vmem>>, vector<16xf32>,
      tpu.vector_store %arg12[%swap3A_501], %gather3A_440 {strides = array<i32>} : memref<4096xf32, #tpu.memory_space<vmem>>, vector<16xf32>,
      %swap3A_503 = arith.index_cast %add3A_247 : i32 to index
      %swap3A_504 = tpu.vector_load %arg12[%swap3A_503] {strides = array<i32>} : memref<4096xf32, #tpu.memory_space<vmem>>, vector<16xf32>,
      tpu.vector_store %arg12[%swap3A_503], %gather3A_444 {strides = array<i32>} : memref<4096xf32, #tpu.memory_space<vmem>>, vector<16xf32>,
      %swap3A_505 = arith.index_cast %add3A_255 : i32 to index
      %swap3A_506 = tpu.vector_load %arg12[%swap3A_505] {strides = array<i32>} : memref<4096xf32, #tpu.memory_space<vmem>>, vector<16xf32>,
      tpu.vector_store %arg12[%swap3A_505], %gather3A_448 {strides = array<i32>} : memref<4096xf32, #tpu.memory_space<vmem>>, vector<16xf32>,
      %swap3A_507 = arith.index_cast %add3A_263 : i32 to index
      %swap3A_508 = tpu.vector_load %arg12[%swap3A_507] {strides = array<i32>} : memref<4096xf32, #tpu.memory_space<vmem>>, vector<16xf32>,
      tpu.vector_store %arg12[%swap3A_507], %gather3A_452 {strides = array<i32>} : memref<4096xf32, #tpu.memory_space<vmem>>, vector<16xf32>,
      %swap3A_509 = arith.index_cast %add3A_271 : i32 to index
      %swap3A_510 = tpu.vector_load %arg12[%swap3A_509] {strides = array<i32>} : memref<4096xf32, #tpu.memory_space<vmem>>, vector<16xf32>,
      tpu.vector_store %arg12[%swap3A_509], %gather3A_456 {strides = array<i32>} : memref<4096xf32, #tpu.memory_space<vmem>>, vector<16xf32>,
      %swap3A_511 = arith.index_cast %add3A_279 : i32 to index
      %swap3A_512 = tpu.vector_load %arg12[%swap3A_511] {strides = array<i32>} : memref<4096xf32, #tpu.memory_space<vmem>>, vector<16xf32>,
      tpu.vector_store %arg12[%swap3A_511], %gather3A_460 {strides = array<i32>} : memref<4096xf32, #tpu.memory_space<vmem>>, vector<16xf32>,
      %swap3A_513 = arith.index_cast %add3A_287 : i32 to index
      %swap3A_514 = tpu.vector_load %arg12[%swap3A_513] {strides = array<i32>} : memref<4096xf32, #tpu.memory_space<vmem>>, vector<16xf32>,
      tpu.vector_store %arg12[%swap3A_513], %gather3A_464 {strides = array<i32>} : memref<4096xf32, #tpu.memory_space<vmem>>, vector<16xf32>,
      %swap3A_515 = arith.index_cast %add3A_295 : i32 to index
      %swap3A_516 = tpu.vector_load %arg12[%swap3A_515] {strides = array<i32>} : memref<4096xf32, #tpu.memory_space<vmem>>, vector<16xf32>,
      tpu.vector_store %arg12[%swap3A_515], %gather3A_468 {strides = array<i32>} : memref<4096xf32, #tpu.memory_space<vmem>>, vector<16xf32>,
      %swap3A_517 = arith.index_cast %add3A_303 : i32 to index
      %swap3A_518 = tpu.vector_load %arg12[%swap3A_517] {strides = array<i32>} : memref<4096xf32, #tpu.memory_space<vmem>>, vector<16xf32>,
      tpu.vector_store %arg12[%swap3A_517], %gather3A_472 {strides = array<i32>} : memref<4096xf32, #tpu.memory_space<vmem>>, vector<16xf32>,
      %swap3A_519 = arith.index_cast %add3A_311 : i32 to index
      %swap3A_520 = tpu.vector_load %arg12[%swap3A_519] {strides = array<i32>} : memref<4096xf32, #tpu.memory_space<vmem>>, vector<16xf32>,
      tpu.vector_store %arg12[%swap3A_519], %gather3A_476 {strides = array<i32>} : memref<4096xf32, #tpu.memory_space<vmem>>, vector<16xf32>,
      %swap3A_521 = arith.index_cast %add3A_319 : i32 to index
      %swap3A_522 = tpu.vector_load %arg12[%swap3A_521] {strides = array<i32>} : memref<4096xf32, #tpu.memory_space<vmem>>, vector<16xf32>,
      tpu.vector_store %arg12[%swap3A_521], %gather3A_480 {strides = array<i32>} : memref<4096xf32, #tpu.memory_space<vmem>>, vector<16xf32>,
      %swap3A_523 = arith.index_cast %add3A_327 : i32 to index
      %swap3A_524 = tpu.vector_load %arg12[%swap3A_523] {strides = array<i32>} : memref<4096xf32, #tpu.memory_space<vmem>>, vector<16xf32>,
      tpu.vector_store %arg12[%swap3A_523], %gather3A_484 {strides = array<i32>} : memref<4096xf32, #tpu.memory_space<vmem>>, vector<16xf32>,
      %swap3A_525 = arith.index_cast %add3A_335 : i32 to index
      %swap3A_526 = tpu.vector_load %arg12[%swap3A_525] {strides = array<i32>} : memref<4096xf32, #tpu.memory_space<vmem>>, vector<16xf32>,
      tpu.vector_store %arg12[%swap3A_525], %gather3A_488 {strides = array<i32>} : memref<4096xf32, #tpu.memory_space<vmem>>, vector<16xf32>,
      %swap3A_527 = arith.index_cast %add3A_343 : i32 to index
      %swap3A_528 = tpu.vector_load %arg12[%swap3A_527] {strides = array<i32>} : memref<4096xf32, #tpu.memory_space<vmem>>, vector<16xf32>,
      tpu.vector_store %arg12[%swap3A_527], %gather3A_492 {strides = array<i32>} : memref<4096xf32, #tpu.memory_space<vmem>>, vector<16xf32>,
      %swap3A_529 = arith.index_cast %add3A_351 : i32 to index
      %swap3A_530 = tpu.vector_load %arg12[%swap3A_529] {strides = array<i32>} : memref<4096xf32, #tpu.memory_space<vmem>>, vector<16xf32>,
      tpu.vector_store %arg12[%swap3A_529], %gather3A_496 {strides = array<i32>} : memref<4096xf32, #tpu.memory_space<vmem>>, vector<16xf32>,
      %swap3A_531 = arith.index_cast %add3A_359 : i32 to index
      %swap3A_532 = tpu.vector_load %arg12[%swap3A_531] {strides = array<i32>} : memref<4096xf32, #tpu.memory_space<vmem>>, vector<16xf32>,
      tpu.vector_store %arg12[%swap3A_531], %gather3A_500 {strides = array<i32>} : memref<4096xf32, #tpu.memory_space<vmem>>, vector<16xf32>,
      %scan3A_533 = arith.constant 0 : i32
      scf.yield %scan3A_533 : i32
    }
    %scan3A_73 = arith.constant 8 : i32
    %scan3A_74 = arith.constant 0 : i32
    %scan3A_75 = arith.constant 0 : i32
    %scan3A_76 = arith.constant 8 : i32
    %scan3A_77 = arith.addi %scan3A_75, %scan3A_76 : i32
    %scan3A_78 = arith.constant 1 : i32
    %scan3A_79 = scf.for %scan3A_230 = %scan3A_75 to %scan3A_77 step %scan3A_78 iter_args(%scan3A_231 = %scan3A_74) -> (i32)  : i32 {
      %mul3A_232 = arith.constant 16 : i32
      %mul3A_233 = arith.muli %scan3A_230, %mul3A_232 : i32
      %add3A_234 = arith.constant 0 : i32
      %add3A_235 = arith.addi %mul3A_233, %add3A_234 : i32
      %mul3A_236 = arith.constant 16 : i32
      %mul3A_237 = arith.muli %add3A_235, %mul3A_236 : i32
      %add3A_238 = arith.constant 0 : i32
      %add3A_239 = arith.addi %add3A_238, %mul3A_237 : i32
      %mul3A_240 = arith.constant 16 : i32
      %mul3A_241 = arith.muli %scan3A_230, %mul3A_240 : i32
      %add3A_242 = arith.constant 1 : i32
      %add3A_243 = arith.addi %mul3A_241, %add3A_242 : i32
      %mul3A_244 = arith.constant 16 : i32
      %mul3A_245 = arith.muli %add3A_243, %mul3A_244 : i32
      %add3A_246 = arith.constant 0 : i32
      %add3A_247 = arith.addi %add3A_246, %mul3A_245 : i32
      %mul3A_248 = arith.constant 16 : i32
      %mul3A_249 = arith.muli %scan3A_230, %mul3A_248 : i32
      %add3A_250 = arith.constant 2 : i32
      %add3A_251 = arith.addi %mul3A_249, %add3A_250 : i32
      %mul3A_252 = arith.constant 16 : i32
      %mul3A_253 = arith.muli %add3A_251, %mul3A_252 : i32
      %add3A_254 = arith.constant 0 : i32
      %add3A_255 = arith.addi %add3A_254, %mul3A_253 : i32
      %mul3A_256 = arith.constant 16 : i32
      %mul3A_257 = arith.muli %scan3A_230, %mul3A_256 : i32
      %add3A_258 = arith.constant 3 : i32
      %add3A_259 = arith.addi %mul3A_257, %add3A_258 : i32
      %mul3A_260 = arith.constant 16 : i32
      %mul3A_261 = arith.muli %add3A_259, %mul3A_260 : i32
      %add3A_262 = arith.constant 0 : i32
      %add3A_263 = arith.addi %add3A_262, %mul3A_261 : i32
      %mul3A_264 = arith.constant 16 : i32
      %mul3A_265 = arith.muli %scan3A_230, %mul3A_264 : i32
      %add3A_266 = arith.constant 4 : i32
      %add3A_267 = arith.addi %mul3A_265, %add3A_266 : i32
      %mul3A_268 = arith.constant 16 : i32
      %mul3A_269 = arith.muli %add3A_267, %mul3A_268 : i32
      %add3A_270 = arith.constant 0 : i32
      %add3A_271 = arith.addi %add3A_270, %mul3A_269 : i32
      %mul3A_272 = arith.constant 16 : i32
      %mul3A_273 = arith.muli %scan3A_230, %mul3A_272 : i32
      %add3A_274 = arith.constant 5 : i32
      %add3A_275 = arith.addi %mul3A_273, %add3A_274 : i32
      %mul3A_276 = arith.constant 16 : i32
      %mul3A_277 = arith.muli %add3A_275, %mul3A_276 : i32
      %add3A_278 = arith.constant 0 : i32
      %add3A_279 = arith.addi %add3A_278, %mul3A_277 : i32
      %mul3A_280 = arith.constant 16 : i32
      %mul3A_281 = arith.muli %scan3A_230, %mul3A_280 : i32
      %add3A_282 = arith.constant 6 : i32
      %add3A_283 = arith.addi %mul3A_281, %add3A_282 : i32
      %mul3A_284 = arith.constant 16 : i32
      %mul3A_285 = arith.muli %add3A_283, %mul3A_284 : i32
      %add3A_286 = arith.constant 0 : i32
      %add3A_287 = arith.addi %add3A_286, %mul3A_285 : i32
      %mul3A_288 = arith.constant 16 : i32
      %mul3A_289 = arith.muli %scan3A_230, %mul3A_288 : i32
      %add3A_290 = arith.constant 7 : i32
      %add3A_291 = arith.addi %mul3A_289, %add3A_290 : i32
      %mul3A_292 = arith.constant 16 : i32
      %mul3A_293 = arith.muli %add3A_291, %mul3A_292 : i32
      %add3A_294 = arith.constant 0 : i32
      %add3A_295 = arith.addi %add3A_294, %mul3A_293 : i32
      %mul3A_296 = arith.constant 16 : i32
      %mul3A_297 = arith.muli %scan3A_230, %mul3A_296 : i32
      %add3A_298 = arith.constant 8 : i32
      %add3A_299 = arith.addi %mul3A_297, %add3A_298 : i32
      %mul3A_300 = arith.constant 16 : i32
      %mul3A_301 = arith.muli %add3A_299, %mul3A_300 : i32
      %add3A_302 = arith.constant 0 : i32
      %add3A_303 = arith.addi %add3A_302, %mul3A_301 : i32
      %mul3A_304 = arith.constant 16 : i32
      %mul3A_305 = arith.muli %scan3A_230, %mul3A_304 : i32
      %add3A_306 = arith.constant 9 : i32
      %add3A_307 = arith.addi %mul3A_305, %add3A_306 : i32
      %mul3A_308 = arith.constant 16 : i32
      %mul3A_309 = arith.muli %add3A_307, %mul3A_308 : i32
      %add3A_310 = arith.constant 0 : i32
      %add3A_311 = arith.addi %add3A_310, %mul3A_309 : i32
      %mul3A_312 = arith.constant 16 : i32
      %mul3A_313 = arith.muli %scan3A_230, %mul3A_312 : i32
      %add3A_314 = arith.constant 10 : i32
      %add3A_315 = arith.addi %mul3A_313, %add3A_314 : i32
      %mul3A_316 = arith.constant 16 : i32
      %mul3A_317 = arith.muli %add3A_315, %mul3A_316 : i32
      %add3A_318 = arith.constant 0 : i32
      %add3A_319 = arith.addi %add3A_318, %mul3A_317 : i32
      %mul3A_320 = arith.constant 16 : i32
      %mul3A_321 = arith.muli %scan3A_230, %mul3A_320 : i32
      %add3A_322 = arith.constant 11 : i32
      %add3A_323 = arith.addi %mul3A_321, %add3A_322 : i32
      %mul3A_324 = arith.constant 16 : i32
      %mul3A_325 = arith.muli %add3A_323, %mul3A_324 : i32
      %add3A_326 = arith.constant 0 : i32
      %add3A_327 = arith.addi %add3A_326, %mul3A_325 : i32
      %mul3A_328 = arith.constant 16 : i32
      %mul3A_329 = arith.muli %scan3A_230, %mul3A_328 : i32
      %add3A_330 = arith.constant 12 : i32
      %add3A_331 = arith.addi %mul3A_329, %add3A_330 : i32
      %mul3A_332 = arith.constant 16 : i32
      %mul3A_333 = arith.muli %add3A_331, %mul3A_332 : i32
      %add3A_334 = arith.constant 0 : i32
      %add3A_335 = arith.addi %add3A_334, %mul3A_333 : i32
      %mul3A_336 = arith.constant 16 : i32
      %mul3A_337 = arith.muli %scan3A_230, %mul3A_336 : i32
      %add3A_338 = arith.constant 13 : i32
      %add3A_339 = arith.addi %mul3A_337, %add3A_338 : i32
      %mul3A_340 = arith.constant 16 : i32
      %mul3A_341 = arith.muli %add3A_339, %mul3A_340 : i32
      %add3A_342 = arith.constant 0 : i32
      %add3A_343 = arith.addi %add3A_342, %mul3A_341 : i32
      %mul3A_344 = arith.constant 16 : i32
      %mul3A_345 = arith.muli %scan3A_230, %mul3A_344 : i32
      %add3A_346 = arith.constant 14 : i32
      %add3A_347 = arith.addi %mul3A_345, %add3A_346 : i32
      %mul3A_348 = arith.constant 16 : i32
      %mul3A_349 = arith.muli %add3A_347, %mul3A_348 : i32
      %add3A_350 = arith.constant 0 : i32
      %add3A_351 = arith.addi %add3A_350, %mul3A_349 : i32
      %mul3A_352 = arith.constant 16 : i32
      %mul3A_353 = arith.muli %scan3A_230, %mul3A_352 : i32
      %add3A_354 = arith.constant 15 : i32
      %add3A_355 = arith.addi %mul3A_353, %add3A_354 : i32
      %mul3A_356 = arith.constant 16 : i32
      %mul3A_357 = arith.muli %add3A_355, %mul3A_356 : i32
      %add3A_358 = arith.constant 0 : i32
      %add3A_359 = arith.addi %add3A_358, %mul3A_357 : i32
      %get3A = arith.index_cast %add3A_239 : i32 to index
      %get3A_360 = tpu.vector_load %arg9[%get3A] {strides = array<i32>} : memref<4096xi32, #tpu.memory_space<vmem>>, vector<16xi32>,
      %add3A_361 = arith.addi %get3A_360, %add3A_67 : vector<16xi32>
      %get3A_362 = arith.index_cast %add3A_247 : i32 to index
      %get3A_363 = tpu.vector_load %arg9[%get3A_362] {strides = array<i32>} : memref<4096xi32, #tpu.memory_space<vmem>>, vector<16xi32>,
      %add3A_364 = arith.addi %get3A_363, %add3A_67 : vector<16xi32>
      %get3A_365 = arith.index_cast %add3A_255 : i32 to index
      %get3A_366 = tpu.vector_load %arg9[%get3A_365] {strides = array<i32>} : memref<4096xi32, #tpu.memory_space<vmem>>, vector<16xi32>,
      %add3A_367 = arith.addi %get3A_366, %add3A_67 : vector<16xi32>
      %get3A_368 = arith.index_cast %add3A_263 : i32 to index
      %get3A_369 = tpu.vector_load %arg9[%get3A_368] {strides = array<i32>} : memref<4096xi32, #tpu.memory_space<vmem>>, vector<16xi32>,
      %add3A_370 = arith.addi %get3A_369, %add3A_67 : vector<16xi32>
      %get3A_371 = arith.index_cast %add3A_271 : i32 to index
      %get3A_372 = tpu.vector_load %arg9[%get3A_371] {strides = array<i32>} : memref<4096xi32, #tpu.memory_space<vmem>>, vector<16xi32>,
      %add3A_373 = arith.addi %get3A_372, %add3A_67 : vector<16xi32>
      %get3A_374 = arith.index_cast %add3A_279 : i32 to index
      %get3A_375 = tpu.vector_load %arg9[%get3A_374] {strides = array<i32>} : memref<4096xi32, #tpu.memory_space<vmem>>, vector<16xi32>,
      %add3A_376 = arith.addi %get3A_375, %add3A_67 : vector<16xi32>
      %get3A_377 = arith.index_cast %add3A_287 : i32 to index
      %get3A_378 = tpu.vector_load %arg9[%get3A_377] {strides = array<i32>} : memref<4096xi32, #tpu.memory_space<vmem>>, vector<16xi32>,
      %add3A_379 = arith.addi %get3A_378, %add3A_67 : vector<16xi32>
      %get3A_380 = arith.index_cast %add3A_295 : i32 to index
      %get3A_381 = tpu.vector_load %arg9[%get3A_380] {strides = array<i32>} : memref<4096xi32, #tpu.memory_space<vmem>>, vector<16xi32>,
      %add3A_382 = arith.addi %get3A_381, %add3A_67 : vector<16xi32>
      %get3A_383 = arith.index_cast %add3A_303 : i32 to index
      %get3A_384 = tpu.vector_load %arg9[%get3A_383] {strides = array<i32>} : memref<4096xi32, #tpu.memory_space<vmem>>, vector<16xi32>,
      %add3A_385 = arith.addi %get3A_384, %add3A_67 : vector<16xi32>
      %get3A_386 = arith.index_cast %add3A_311 : i32 to index
      %get3A_387 = tpu.vector_load %arg9[%get3A_386] {strides = array<i32>} : memref<4096xi32, #tpu.memory_space<vmem>>, vector<16xi32>,
      %add3A_388 = arith.addi %get3A_387, %add3A_67 : vector<16xi32>
      %get3A_389 = arith.index_cast %add3A_319 : i32 to index
      %get3A_390 = tpu.vector_load %arg9[%get3A_389] {strides = array<i32>} : memref<4096xi32, #tpu.memory_space<vmem>>, vector<16xi32>,
      %add3A_391 = arith.addi %get3A_390, %add3A_67 : vector<16xi32>
      %get3A_392 = arith.index_cast %add3A_327 : i32 to index
      %get3A_393 = tpu.vector_load %arg9[%get3A_392] {strides = array<i32>} : memref<4096xi32, #tpu.memory_space<vmem>>, vector<16xi32>,
      %add3A_394 = arith.addi %get3A_393, %add3A_67 : vector<16xi32>
      %get3A_395 = arith.index_cast %add3A_335 : i32 to index
      %get3A_396 = tpu.vector_load %arg9[%get3A_395] {strides = array<i32>} : memref<4096xi32, #tpu.memory_space<vmem>>, vector<16xi32>,
      %add3A_397 = arith.addi %get3A_396, %add3A_67 : vector<16xi32>
      %get3A_398 = arith.index_cast %add3A_343 : i32 to index
      %get3A_399 = tpu.vector_load %arg9[%get3A_398] {strides = array<i32>} : memref<4096xi32, #tpu.memory_space<vmem>>, vector<16xi32>,
      %add3A_400 = arith.addi %get3A_399, %add3A_67 : vector<16xi32>
      %get3A_401 = arith.index_cast %add3A_351 : i32 to index
      %get3A_402 = tpu.vector_load %arg9[%get3A_401] {strides = array<i32>} : memref<4096xi32, #tpu.memory_space<vmem>>, vector<16xi32>,
      %add3A_403 = arith.addi %get3A_402, %add3A_67 : vector<16xi32>
      %get3A_404 = arith.index_cast %add3A_359 : i32 to index
      %get3A_405 = tpu.vector_load %arg9[%get3A_404] {strides = array<i32>} : memref<4096xi32, #tpu.memory_space<vmem>>, vector<16xi32>,
      %add3A_406 = arith.addi %get3A_405, %add3A_67 : vector<16xi32>
      tpu.vector_store_idx %arg13[%add3A_361], %broadcast_in_dim3A_64 {add = true} : memref<8192xf32, #tpu.memory_space<vmem>>[vector<16xi32>], vector<16xf32>,
      tpu.vector_store_idx %arg13[%add3A_364], %broadcast_in_dim3A_64 {add = true} : memref<8192xf32, #tpu.memory_space<vmem>>[vector<16xi32>], vector<16xf32>,
      tpu.vector_store_idx %arg13[%add3A_367], %broadcast_in_dim3A_64 {add = true} : memref<8192xf32, #tpu.memory_space<vmem>>[vector<16xi32>], vector<16xf32>,
      tpu.vector_store_idx %arg13[%add3A_370], %broadcast_in_dim3A_64 {add = true} : memref<8192xf32, #tpu.memory_space<vmem>>[vector<16xi32>], vector<16xf32>,
      tpu.vector_store_idx %arg13[%add3A_373], %broadcast_in_dim3A_64 {add = true} : memref<8192xf32, #tpu.memory_space<vmem>>[vector<16xi32>], vector<16xf32>,
      tpu.vector_store_idx %arg13[%add3A_376], %broadcast_in_dim3A_64 {add = true} : memref<8192xf32, #tpu.memory_space<vmem>>[vector<16xi32>], vector<16xf32>,
      tpu.vector_store_idx %arg13[%add3A_379], %broadcast_in_dim3A_64 {add = true} : memref<8192xf32, #tpu.memory_space<vmem>>[vector<16xi32>], vector<16xf32>,
      tpu.vector_store_idx %arg13[%add3A_382], %broadcast_in_dim3A_64 {add = true} : memref<8192xf32, #tpu.memory_space<vmem>>[vector<16xi32>], vector<16xf32>,
      tpu.vector_store_idx %arg13[%add3A_385], %broadcast_in_dim3A_64 {add = true} : memref<8192xf32, #tpu.memory_space<vmem>>[vector<16xi32>], vector<16xf32>,
      tpu.vector_store_idx %arg13[%add3A_388], %broadcast_in_dim3A_64 {add = true} : memref<8192xf32, #tpu.memory_space<vmem>>[vector<16xi32>], vector<16xf32>,
      tpu.vector_store_idx %arg13[%add3A_391], %broadcast_in_dim3A_64 {add = true} : memref<8192xf32, #tpu.memory_space<vmem>>[vector<16xi32>], vector<16xf32>,
      tpu.vector_store_idx %arg13[%add3A_394], %broadcast_in_dim3A_64 {add = true} : memref<8192xf32, #tpu.memory_space<vmem>>[vector<16xi32>], vector<16xf32>,
      tpu.vector_store_idx %arg13[%add3A_397], %broadcast_in_dim3A_64 {add = true} : memref<8192xf32, #tpu.memory_space<vmem>>[vector<16xi32>], vector<16xf32>,
      tpu.vector_store_idx %arg13[%add3A_400], %broadcast_in_dim3A_64 {add = true} : memref<8192xf32, #tpu.memory_space<vmem>>[vector<16xi32>], vector<16xf32>,
      tpu.vector_store_idx %arg13[%add3A_403], %broadcast_in_dim3A_64 {add = true} : memref<8192xf32, #tpu.memory_space<vmem>>[vector<16xi32>], vector<16xf32>,
      tpu.vector_store_idx %arg13[%add3A_406], %broadcast_in_dim3A_64 {add = true} : memref<8192xf32, #tpu.memory_space<vmem>>[vector<16xi32>], vector<16xf32>,
      %scan3A_407 = arith.constant 0 : i32
      scf.yield %scan3A_407 : i32
    }
    %scan3A_80 = arith.constant 8 : i32
    %add3A_81 = arith.constant 0 : i32
    %add3A_82 = arith.addi %mul3A_9, %add3A_81 : i32
    %dma_start3A_83 = arith.constant 0 : i32
    %dma_start3A_84 = tpu.memref_slice %arg11[%dma_start3A_83] : memref<4096xf32, #tpu.memory_space<vmem>> -> memref<2048xf32, #tpu.memory_space<vmem>>
    %dma_start3A_85 = arith.constant 0 : i32
    %dma_start3A_86 = tpu.memref_slice %arg6[%add3A_82, %dma_start3A_85] : memref<64x2048xf32, #tpu.memory_space<hbm>> -> memref<1x2048xf32, #tpu.memory_space<hbm>>
    %dma_start3A_87 = tpu.memref_squeeze %dma_start3A_86 : memref<1x2048xf32, #tpu.memory_space<hbm>> -> memref<2048xf32, #tpu.memory_space<hbm>>
    %dma_start3A_88 = arith.constant 0 : i32
    %dma_start3A_89 = tpu.memref_slice %arg6[%add3A_82, %dma_start3A_88] : memref<64x2048xf32, #tpu.memory_space<hbm>> -> memref<1x2048xf32, #tpu.memory_space<hbm>>
    %dma_start3A_90 = tpu.memref_squeeze %dma_start3A_89 : memref<1x2048xf32, #tpu.memory_space<hbm>> -> memref<2048xf32, #tpu.memory_space<hbm>>
    %dma_start3A_91 = arith.constant 0 : i32
    %dma_start3A_92 = tpu.memref_slice %arg11[%dma_start3A_91] : memref<4096xf32, #tpu.memory_space<vmem>> -> memref<2048xf32, #tpu.memory_space<vmem>>
    tpu.enqueue_dma source(%dma_start3A_92 : memref<2048xf32, #tpu.memory_space<vmem>>) target(%dma_start3A_90 : memref<2048xf32, #tpu.memory_space<hbm>>) target_semaphore(%arg16 : memref<!tpu.dma_semaphore, #tpu.memory_space<semaphore_mem>>)
    %add3A_93 = arith.constant 0 : i32
    %add3A_94 = arith.addi %mul3A_9, %add3A_93 : i32
    %dma_start3A_95 = arith.constant 0 : i32
    %dma_start3A_96 = tpu.memref_slice %arg12[%dma_start3A_95] : memref<4096xf32, #tpu.memory_space<vmem>> -> memref<2048xf32, #tpu.memory_space<vmem>>
    %dma_start3A_97 = arith.constant 0 : i32
    %dma_start3A_98 = tpu.memref_slice %arg7[%add3A_94, %dma_start3A_97] : memref<64x2048xf32, #tpu.memory_space<hbm>> -> memref<1x2048xf32, #tpu.memory_space<hbm>>
    %dma_start3A_99 = tpu.memref_squeeze %dma_start3A_98 : memref<1x2048xf32, #tpu.memory_space<hbm>> -> memref<2048xf32, #tpu.memory_space<hbm>>
    %dma_start3A_100 = arith.constant 0 : i32
    %dma_start3A_101 = tpu.memref_slice %arg7[%add3A_94, %dma_start3A_100] : memref<64x2048xf32, #tpu.memory_space<hbm>> -> memref<1x2048xf32, #tpu.memory_space<hbm>>
    %dma_start3A_102 = tpu.memref_squeeze %dma_start3A_101 : memref<1x2048xf32, #tpu.memory_space<hbm>> -> memref<2048xf32, #tpu.memory_space<hbm>>
    %dma_start3A_103 = arith.constant 0 : i32
    %dma_start3A_104 = tpu.memref_slice %arg12[%dma_start3A_103] : memref<4096xf32, #tpu.memory_space<vmem>> -> memref<2048xf32, #tpu.memory_space<vmem>>
    tpu.enqueue_dma source(%dma_start3A_104 : memref<2048xf32, #tpu.memory_space<vmem>>) target(%dma_start3A_102 : memref<2048xf32, #tpu.memory_space<hbm>>) target_semaphore(%arg16 : memref<!tpu.dma_semaphore, #tpu.memory_space<semaphore_mem>>)
    %add3A_105 = arith.constant 0 : i32
    %add3A_106 = arith.addi %mul3A_9, %add3A_105 : i32
    %dma_start3A_107 = arith.constant 0 : i32
    %dma_start3A_108 = tpu.memref_slice %arg13[%dma_start3A_107] : memref<8192xf32, #tpu.memory_space<vmem>> -> memref<4096xf32, #tpu.memory_space<vmem>>
    %dma_start3A_109 = arith.constant 0 : i32
    %dma_start3A_110 = tpu.memref_slice %arg8[%add3A_106, %dma_start3A_109] : memref<64x4096xf32, #tpu.memory_space<hbm>> -> memref<1x4096xf32, #tpu.memory_space<hbm>>
    %dma_start3A_111 = tpu.memref_squeeze %dma_start3A_110 : memref<1x4096xf32, #tpu.memory_space<hbm>> -> memref<4096xf32, #tpu.memory_space<hbm>>
    %dma_start3A_112 = arith.constant 0 : i32
    %dma_start3A_113 = tpu.memref_slice %arg8[%add3A_106, %dma_start3A_112] : memref<64x4096xf32, #tpu.memory_space<hbm>> -> memref<1x4096xf32, #tpu.memory_space<hbm>>
    %dma_start3A_114 = tpu.memref_squeeze %dma_start3A_113 : memref<1x4096xf32, #tpu.memory_space<hbm>> -> memref<4096xf32, #tpu.memory_space<hbm>>
    %dma_start3A_115 = arith.constant 0 : i32
    %dma_start3A_116 = tpu.memref_slice %arg13[%dma_start3A_115] : memref<8192xf32, #tpu.memory_space<vmem>> -> memref<4096xf32, #tpu.memory_space<vmem>>
    tpu.enqueue_dma source(%dma_start3A_116 : memref<4096xf32, #tpu.memory_space<vmem>>) target(%dma_start3A_114 : memref<4096xf32, #tpu.memory_space<hbm>>) target_semaphore(%arg16 : memref<!tpu.dma_semaphore, #tpu.memory_space<semaphore_mem>>)
    %add3A_117 = arith.constant 4096 : i32
    %add3A_118 = vector.broadcast %add3A_117 : i32 to vector<16xi32>
    %add3A_119 = arith.addi %mul3A_63, %add3A_118 : vector<16xi32>
    %scan3A_120 = arith.constant 0 : i32
    %scan3A_121 = arith.constant 0 : i32
    %scan3A_122 = arith.constant 8 : i32
    %scan3A_123 = arith.addi %scan3A_121, %scan3A_122 : i32
    %scan3A_124 = arith.constant 1 : i32
    %scan3A_125 = scf.for %scan3A_230 = %scan3A_121 to %scan3A_123 step %scan3A_124 iter_args(%scan3A_231 = %scan3A_120) -> (i32)  : i32 {
      %mul3A_232 = arith.constant 16 : i32
      %mul3A_233 = arith.muli %scan3A_230, %mul3A_232 : i32
      %add3A_234 = arith.constant 0 : i32
      %add3A_235 = arith.addi %mul3A_233, %add3A_234 : i32
      %mul3A_236 = arith.constant 16 : i32
      %mul3A_237 = arith.muli %add3A_235, %mul3A_236 : i32
      %add3A_238 = arith.constant 2048 : i32
      %add3A_239 = arith.addi %add3A_238, %mul3A_237 : i32
      %mul3A_240 = arith.constant 16 : i32
      %mul3A_241 = arith.muli %scan3A_230, %mul3A_240 : i32
      %add3A_242 = arith.constant 1 : i32
      %add3A_243 = arith.addi %mul3A_241, %add3A_242 : i32
      %mul3A_244 = arith.constant 16 : i32
      %mul3A_245 = arith.muli %add3A_243, %mul3A_244 : i32
      %add3A_246 = arith.constant 2048 : i32
      %add3A_247 = arith.addi %add3A_246, %mul3A_245 : i32
      %mul3A_248 = arith.constant 16 : i32
      %mul3A_249 = arith.muli %scan3A_230, %mul3A_248 : i32
      %add3A_250 = arith.constant 2 : i32
      %add3A_251 = arith.addi %mul3A_249, %add3A_250 : i32
      %mul3A_252 = arith.constant 16 : i32
      %mul3A_253 = arith.muli %add3A_251, %mul3A_252 : i32
      %add3A_254 = arith.constant 2048 : i32
      %add3A_255 = arith.addi %add3A_254, %mul3A_253 : i32
      %mul3A_256 = arith.constant 16 : i32
      %mul3A_257 = arith.muli %scan3A_230, %mul3A_256 : i32
      %add3A_258 = arith.constant 3 : i32
      %add3A_259 = arith.addi %mul3A_257, %add3A_258 : i32
      %mul3A_260 = arith.constant 16 : i32
      %mul3A_261 = arith.muli %add3A_259, %mul3A_260 : i32
      %add3A_262 = arith.constant 2048 : i32
      %add3A_263 = arith.addi %add3A_262, %mul3A_261 : i32
      %mul3A_264 = arith.constant 16 : i32
      %mul3A_265 = arith.muli %scan3A_230, %mul3A_264 : i32
      %add3A_266 = arith.constant 4 : i32
      %add3A_267 = arith.addi %mul3A_265, %add3A_266 : i32
      %mul3A_268 = arith.constant 16 : i32
      %mul3A_269 = arith.muli %add3A_267, %mul3A_268 : i32
      %add3A_270 = arith.constant 2048 : i32
      %add3A_271 = arith.addi %add3A_270, %mul3A_269 : i32
      %mul3A_272 = arith.constant 16 : i32
      %mul3A_273 = arith.muli %scan3A_230, %mul3A_272 : i32
      %add3A_274 = arith.constant 5 : i32
      %add3A_275 = arith.addi %mul3A_273, %add3A_274 : i32
      %mul3A_276 = arith.constant 16 : i32
      %mul3A_277 = arith.muli %add3A_275, %mul3A_276 : i32
      %add3A_278 = arith.constant 2048 : i32
      %add3A_279 = arith.addi %add3A_278, %mul3A_277 : i32
      %mul3A_280 = arith.constant 16 : i32
      %mul3A_281 = arith.muli %scan3A_230, %mul3A_280 : i32
      %add3A_282 = arith.constant 6 : i32
      %add3A_283 = arith.addi %mul3A_281, %add3A_282 : i32
      %mul3A_284 = arith.constant 16 : i32
      %mul3A_285 = arith.muli %add3A_283, %mul3A_284 : i32
      %add3A_286 = arith.constant 2048 : i32
      %add3A_287 = arith.addi %add3A_286, %mul3A_285 : i32
      %mul3A_288 = arith.constant 16 : i32
      %mul3A_289 = arith.muli %scan3A_230, %mul3A_288 : i32
      %add3A_290 = arith.constant 7 : i32
      %add3A_291 = arith.addi %mul3A_289, %add3A_290 : i32
      %mul3A_292 = arith.constant 16 : i32
      %mul3A_293 = arith.muli %add3A_291, %mul3A_292 : i32
      %add3A_294 = arith.constant 2048 : i32
      %add3A_295 = arith.addi %add3A_294, %mul3A_293 : i32
      %mul3A_296 = arith.constant 16 : i32
      %mul3A_297 = arith.muli %scan3A_230, %mul3A_296 : i32
      %add3A_298 = arith.constant 8 : i32
      %add3A_299 = arith.addi %mul3A_297, %add3A_298 : i32
      %mul3A_300 = arith.constant 16 : i32
      %mul3A_301 = arith.muli %add3A_299, %mul3A_300 : i32
      %add3A_302 = arith.constant 2048 : i32
      %add3A_303 = arith.addi %add3A_302, %mul3A_301 : i32
      %mul3A_304 = arith.constant 16 : i32
      %mul3A_305 = arith.muli %scan3A_230, %mul3A_304 : i32
      %add3A_306 = arith.constant 9 : i32
      %add3A_307 = arith.addi %mul3A_305, %add3A_306 : i32
      %mul3A_308 = arith.constant 16 : i32
      %mul3A_309 = arith.muli %add3A_307, %mul3A_308 : i32
      %add3A_310 = arith.constant 2048 : i32
      %add3A_311 = arith.addi %add3A_310, %mul3A_309 : i32
      %mul3A_312 = arith.constant 16 : i32
      %mul3A_313 = arith.muli %scan3A_230, %mul3A_312 : i32
      %add3A_314 = arith.constant 10 : i32
      %add3A_315 = arith.addi %mul3A_313, %add3A_314 : i32
      %mul3A_316 = arith.constant 16 : i32
      %mul3A_317 = arith.muli %add3A_315, %mul3A_316 : i32
      %add3A_318 = arith.constant 2048 : i32
      %add3A_319 = arith.addi %add3A_318, %mul3A_317 : i32
      %mul3A_320 = arith.constant 16 : i32
      %mul3A_321 = arith.muli %scan3A_230, %mul3A_320 : i32
      %add3A_322 = arith.constant 11 : i32
      %add3A_323 = arith.addi %mul3A_321, %add3A_322 : i32
      %mul3A_324 = arith.constant 16 : i32
      %mul3A_325 = arith.muli %add3A_323, %mul3A_324 : i32
      %add3A_326 = arith.constant 2048 : i32
      %add3A_327 = arith.addi %add3A_326, %mul3A_325 : i32
      %mul3A_328 = arith.constant 16 : i32
      %mul3A_329 = arith.muli %scan3A_230, %mul3A_328 : i32
      %add3A_330 = arith.constant 12 : i32
      %add3A_331 = arith.addi %mul3A_329, %add3A_330 : i32
      %mul3A_332 = arith.constant 16 : i32
      %mul3A_333 = arith.muli %add3A_331, %mul3A_332 : i32
      %add3A_334 = arith.constant 2048 : i32
      %add3A_335 = arith.addi %add3A_334, %mul3A_333 : i32
      %mul3A_336 = arith.constant 16 : i32
      %mul3A_337 = arith.muli %scan3A_230, %mul3A_336 : i32
      %add3A_338 = arith.constant 13 : i32
      %add3A_339 = arith.addi %mul3A_337, %add3A_338 : i32
      %mul3A_340 = arith.constant 16 : i32
      %mul3A_341 = arith.muli %add3A_339, %mul3A_340 : i32
      %add3A_342 = arith.constant 2048 : i32
      %add3A_343 = arith.addi %add3A_342, %mul3A_341 : i32
      %mul3A_344 = arith.constant 16 : i32
      %mul3A_345 = arith.muli %scan3A_230, %mul3A_344 : i32
      %add3A_346 = arith.constant 14 : i32
      %add3A_347 = arith.addi %mul3A_345, %add3A_346 : i32
      %mul3A_348 = arith.constant 16 : i32
      %mul3A_349 = arith.muli %add3A_347, %mul3A_348 : i32
      %add3A_350 = arith.constant 2048 : i32
      %add3A_351 = arith.addi %add3A_350, %mul3A_349 : i32
      %mul3A_352 = arith.constant 16 : i32
      %mul3A_353 = arith.muli %scan3A_230, %mul3A_352 : i32
      %add3A_354 = arith.constant 15 : i32
      %add3A_355 = arith.addi %mul3A_353, %add3A_354 : i32
      %mul3A_356 = arith.constant 16 : i32
      %mul3A_357 = arith.muli %add3A_355, %mul3A_356 : i32
      %add3A_358 = arith.constant 2048 : i32
      %add3A_359 = arith.addi %add3A_358, %mul3A_357 : i32
      %get3A = arith.index_cast %add3A_239 : i32 to index
      %get3A_360 = tpu.vector_load %arg9[%get3A] {strides = array<i32>} : memref<4096xi32, #tpu.memory_space<vmem>>, vector<16xi32>,
      %get3A_361 = arith.index_cast %add3A_247 : i32 to index
      %get3A_362 = tpu.vector_load %arg9[%get3A_361] {strides = array<i32>} : memref<4096xi32, #tpu.memory_space<vmem>>, vector<16xi32>,
      %get3A_363 = arith.index_cast %add3A_255 : i32 to index
      %get3A_364 = tpu.vector_load %arg9[%get3A_363] {strides = array<i32>} : memref<4096xi32, #tpu.memory_space<vmem>>, vector<16xi32>,
      %get3A_365 = arith.index_cast %add3A_263 : i32 to index
      %get3A_366 = tpu.vector_load %arg9[%get3A_365] {strides = array<i32>} : memref<4096xi32, #tpu.memory_space<vmem>>, vector<16xi32>,
      %get3A_367 = arith.index_cast %add3A_271 : i32 to index
      %get3A_368 = tpu.vector_load %arg9[%get3A_367] {strides = array<i32>} : memref<4096xi32, #tpu.memory_space<vmem>>, vector<16xi32>,
      %get3A_369 = arith.index_cast %add3A_279 : i32 to index
      %get3A_370 = tpu.vector_load %arg9[%get3A_369] {strides = array<i32>} : memref<4096xi32, #tpu.memory_space<vmem>>, vector<16xi32>,
      %get3A_371 = arith.index_cast %add3A_287 : i32 to index
      %get3A_372 = tpu.vector_load %arg9[%get3A_371] {strides = array<i32>} : memref<4096xi32, #tpu.memory_space<vmem>>, vector<16xi32>,
      %get3A_373 = arith.index_cast %add3A_295 : i32 to index
      %get3A_374 = tpu.vector_load %arg9[%get3A_373] {strides = array<i32>} : memref<4096xi32, #tpu.memory_space<vmem>>, vector<16xi32>,
      %get3A_375 = arith.index_cast %add3A_303 : i32 to index
      %get3A_376 = tpu.vector_load %arg9[%get3A_375] {strides = array<i32>} : memref<4096xi32, #tpu.memory_space<vmem>>, vector<16xi32>,
      %get3A_377 = arith.index_cast %add3A_311 : i32 to index
      %get3A_378 = tpu.vector_load %arg9[%get3A_377] {strides = array<i32>} : memref<4096xi32, #tpu.memory_space<vmem>>, vector<16xi32>,
      %get3A_379 = arith.index_cast %add3A_319 : i32 to index
      %get3A_380 = tpu.vector_load %arg9[%get3A_379] {strides = array<i32>} : memref<4096xi32, #tpu.memory_space<vmem>>, vector<16xi32>,
      %get3A_381 = arith.index_cast %add3A_327 : i32 to index
      %get3A_382 = tpu.vector_load %arg9[%get3A_381] {strides = array<i32>} : memref<4096xi32, #tpu.memory_space<vmem>>, vector<16xi32>,
      %get3A_383 = arith.index_cast %add3A_335 : i32 to index
      %get3A_384 = tpu.vector_load %arg9[%get3A_383] {strides = array<i32>} : memref<4096xi32, #tpu.memory_space<vmem>>, vector<16xi32>,
      %get3A_385 = arith.index_cast %add3A_343 : i32 to index
      %get3A_386 = tpu.vector_load %arg9[%get3A_385] {strides = array<i32>} : memref<4096xi32, #tpu.memory_space<vmem>>, vector<16xi32>,
      %get3A_387 = arith.index_cast %add3A_351 : i32 to index
      %get3A_388 = tpu.vector_load %arg9[%get3A_387] {strides = array<i32>} : memref<4096xi32, #tpu.memory_space<vmem>>, vector<16xi32>,
      %get3A_389 = arith.index_cast %add3A_359 : i32 to index
      %get3A_390 = tpu.vector_load %arg9[%get3A_389] {strides = array<i32>} : memref<4096xi32, #tpu.memory_space<vmem>>, vector<16xi32>,
      %gather3A = tpu.vector_load_idx %arg10[%get3A_360] : memref<512xf32, #tpu.memory_space<vmem>>[vector<16xi32>], vector<16xf32>,
      %gather3A_391 = tpu.vector_load_idx %arg10[%get3A_362] : memref<512xf32, #tpu.memory_space<vmem>>[vector<16xi32>], vector<16xf32>,
      %gather3A_392 = tpu.vector_load_idx %arg10[%get3A_364] : memref<512xf32, #tpu.memory_space<vmem>>[vector<16xi32>], vector<16xf32>,
      %gather3A_393 = tpu.vector_load_idx %arg10[%get3A_366] : memref<512xf32, #tpu.memory_space<vmem>>[vector<16xi32>], vector<16xf32>,
      %gather3A_394 = tpu.vector_load_idx %arg10[%get3A_368] : memref<512xf32, #tpu.memory_space<vmem>>[vector<16xi32>], vector<16xf32>,
      %gather3A_395 = tpu.vector_load_idx %arg10[%get3A_370] : memref<512xf32, #tpu.memory_space<vmem>>[vector<16xi32>], vector<16xf32>,
      %gather3A_396 = tpu.vector_load_idx %arg10[%get3A_372] : memref<512xf32, #tpu.memory_space<vmem>>[vector<16xi32>], vector<16xf32>,
      %gather3A_397 = tpu.vector_load_idx %arg10[%get3A_374] : memref<512xf32, #tpu.memory_space<vmem>>[vector<16xi32>], vector<16xf32>,
      %gather3A_398 = tpu.vector_load_idx %arg10[%get3A_376] : memref<512xf32, #tpu.memory_space<vmem>>[vector<16xi32>], vector<16xf32>,
      %gather3A_399 = tpu.vector_load_idx %arg10[%get3A_378] : memref<512xf32, #tpu.memory_space<vmem>>[vector<16xi32>], vector<16xf32>,
      %gather3A_400 = tpu.vector_load_idx %arg10[%get3A_380] : memref<512xf32, #tpu.memory_space<vmem>>[vector<16xi32>], vector<16xf32>,
      %gather3A_401 = tpu.vector_load_idx %arg10[%get3A_382] : memref<512xf32, #tpu.memory_space<vmem>>[vector<16xi32>], vector<16xf32>,
      %gather3A_402 = tpu.vector_load_idx %arg10[%get3A_384] : memref<512xf32, #tpu.memory_space<vmem>>[vector<16xi32>], vector<16xf32>,
      %gather3A_403 = tpu.vector_load_idx %arg10[%get3A_386] : memref<512xf32, #tpu.memory_space<vmem>>[vector<16xi32>], vector<16xf32>,
      %gather3A_404 = tpu.vector_load_idx %arg10[%get3A_388] : memref<512xf32, #tpu.memory_space<vmem>>[vector<16xi32>], vector<16xf32>,
      %gather3A_405 = tpu.vector_load_idx %arg10[%get3A_390] : memref<512xf32, #tpu.memory_space<vmem>>[vector<16xi32>], vector<16xf32>,
      %swap3A = arith.index_cast %add3A_239 : i32 to index
      %swap3A_406 = tpu.vector_load %arg11[%swap3A] {strides = array<i32>} : memref<4096xf32, #tpu.memory_space<vmem>>, vector<16xf32>,
      tpu.vector_store %arg11[%swap3A], %gather3A {strides = array<i32>} : memref<4096xf32, #tpu.memory_space<vmem>>, vector<16xf32>,
      %swap3A_407 = arith.index_cast %add3A_247 : i32 to index
      %swap3A_408 = tpu.vector_load %arg11[%swap3A_407] {strides = array<i32>} : memref<4096xf32, #tpu.memory_space<vmem>>, vector<16xf32>,
      tpu.vector_store %arg11[%swap3A_407], %gather3A_391 {strides = array<i32>} : memref<4096xf32, #tpu.memory_space<vmem>>, vector<16xf32>,
      %swap3A_409 = arith.index_cast %add3A_255 : i32 to index
      %swap3A_410 = tpu.vector_load %arg11[%swap3A_409] {strides = array<i32>} : memref<4096xf32, #tpu.memory_space<vmem>>, vector<16xf32>,
      tpu.vector_store %arg11[%swap3A_409], %gather3A_392 {strides = array<i32>} : memref<4096xf32, #tpu.memory_space<vmem>>, vector<16xf32>,
      %swap3A_411 = arith.index_cast %add3A_263 : i32 to index
      %swap3A_412 = tpu.vector_load %arg11[%swap3A_411] {strides = array<i32>} : memref<4096xf32, #tpu.memory_space<vmem>>, vector<16xf32>,
      tpu.vector_store %arg11[%swap3A_411], %gather3A_393 {strides = array<i32>} : memref<4096xf32, #tpu.memory_space<vmem>>, vector<16xf32>,
      %swap3A_413 = arith.index_cast %add3A_271 : i32 to index
      %swap3A_414 = tpu.vector_load %arg11[%swap3A_413] {strides = array<i32>} : memref<4096xf32, #tpu.memory_space<vmem>>, vector<16xf32>,
      tpu.vector_store %arg11[%swap3A_413], %gather3A_394 {strides = array<i32>} : memref<4096xf32, #tpu.memory_space<vmem>>, vector<16xf32>,
      %swap3A_415 = arith.index_cast %add3A_279 : i32 to index
      %swap3A_416 = tpu.vector_load %arg11[%swap3A_415] {strides = array<i32>} : memref<4096xf32, #tpu.memory_space<vmem>>, vector<16xf32>,
      tpu.vector_store %arg11[%swap3A_415], %gather3A_395 {strides = array<i32>} : memref<4096xf32, #tpu.memory_space<vmem>>, vector<16xf32>,
      %swap3A_417 = arith.index_cast %add3A_287 : i32 to index
      %swap3A_418 = tpu.vector_load %arg11[%swap3A_417] {strides = array<i32>} : memref<4096xf32, #tpu.memory_space<vmem>>, vector<16xf32>,
      tpu.vector_store %arg11[%swap3A_417], %gather3A_396 {strides = array<i32>} : memref<4096xf32, #tpu.memory_space<vmem>>, vector<16xf32>,
      %swap3A_419 = arith.index_cast %add3A_295 : i32 to index
      %swap3A_420 = tpu.vector_load %arg11[%swap3A_419] {strides = array<i32>} : memref<4096xf32, #tpu.memory_space<vmem>>, vector<16xf32>,
      tpu.vector_store %arg11[%swap3A_419], %gather3A_397 {strides = array<i32>} : memref<4096xf32, #tpu.memory_space<vmem>>, vector<16xf32>,
      %swap3A_421 = arith.index_cast %add3A_303 : i32 to index
      %swap3A_422 = tpu.vector_load %arg11[%swap3A_421] {strides = array<i32>} : memref<4096xf32, #tpu.memory_space<vmem>>, vector<16xf32>,
      tpu.vector_store %arg11[%swap3A_421], %gather3A_398 {strides = array<i32>} : memref<4096xf32, #tpu.memory_space<vmem>>, vector<16xf32>,
      %swap3A_423 = arith.index_cast %add3A_311 : i32 to index
      %swap3A_424 = tpu.vector_load %arg11[%swap3A_423] {strides = array<i32>} : memref<4096xf32, #tpu.memory_space<vmem>>, vector<16xf32>,
      tpu.vector_store %arg11[%swap3A_423], %gather3A_399 {strides = array<i32>} : memref<4096xf32, #tpu.memory_space<vmem>>, vector<16xf32>,
      %swap3A_425 = arith.index_cast %add3A_319 : i32 to index
      %swap3A_426 = tpu.vector_load %arg11[%swap3A_425] {strides = array<i32>} : memref<4096xf32, #tpu.memory_space<vmem>>, vector<16xf32>,
      tpu.vector_store %arg11[%swap3A_425], %gather3A_400 {strides = array<i32>} : memref<4096xf32, #tpu.memory_space<vmem>>, vector<16xf32>,
      %swap3A_427 = arith.index_cast %add3A_327 : i32 to index
      %swap3A_428 = tpu.vector_load %arg11[%swap3A_427] {strides = array<i32>} : memref<4096xf32, #tpu.memory_space<vmem>>, vector<16xf32>,
      tpu.vector_store %arg11[%swap3A_427], %gather3A_401 {strides = array<i32>} : memref<4096xf32, #tpu.memory_space<vmem>>, vector<16xf32>,
      %swap3A_429 = arith.index_cast %add3A_335 : i32 to index
      %swap3A_430 = tpu.vector_load %arg11[%swap3A_429] {strides = array<i32>} : memref<4096xf32, #tpu.memory_space<vmem>>, vector<16xf32>,
      tpu.vector_store %arg11[%swap3A_429], %gather3A_402 {strides = array<i32>} : memref<4096xf32, #tpu.memory_space<vmem>>, vector<16xf32>,
      %swap3A_431 = arith.index_cast %add3A_343 : i32 to index
      %swap3A_432 = tpu.vector_load %arg11[%swap3A_431] {strides = array<i32>} : memref<4096xf32, #tpu.memory_space<vmem>>, vector<16xf32>,
      tpu.vector_store %arg11[%swap3A_431], %gather3A_403 {strides = array<i32>} : memref<4096xf32, #tpu.memory_space<vmem>>, vector<16xf32>,
      %swap3A_433 = arith.index_cast %add3A_351 : i32 to index
      %swap3A_434 = tpu.vector_load %arg11[%swap3A_433] {strides = array<i32>} : memref<4096xf32, #tpu.memory_space<vmem>>, vector<16xf32>,
      tpu.vector_store %arg11[%swap3A_433], %gather3A_404 {strides = array<i32>} : memref<4096xf32, #tpu.memory_space<vmem>>, vector<16xf32>,
      %swap3A_435 = arith.index_cast %add3A_359 : i32 to index
      %swap3A_436 = tpu.vector_load %arg11[%swap3A_435] {strides = array<i32>} : memref<4096xf32, #tpu.memory_space<vmem>>, vector<16xf32>,
      tpu.vector_store %arg11[%swap3A_435], %gather3A_405 {strides = array<i32>} : memref<4096xf32, #tpu.memory_space<vmem>>, vector<16xf32>,
      %add3A_437 = arith.constant 256 : i32
      %add3A_438 = vector.broadcast %add3A_437 : i32 to vector<16xi32>
      %add3A_439 = arith.addi %get3A_360, %add3A_438 : vector<16xi32>
      %gather3A_440 = tpu.vector_load_idx %arg10[%add3A_439] : memref<512xf32, #tpu.memory_space<vmem>>[vector<16xi32>], vector<16xf32>,
      %add3A_441 = arith.constant 256 : i32
      %add3A_442 = vector.broadcast %add3A_441 : i32 to vector<16xi32>
      %add3A_443 = arith.addi %get3A_362, %add3A_442 : vector<16xi32>
      %gather3A_444 = tpu.vector_load_idx %arg10[%add3A_443] : memref<512xf32, #tpu.memory_space<vmem>>[vector<16xi32>], vector<16xf32>,
      %add3A_445 = arith.constant 256 : i32
      %add3A_446 = vector.broadcast %add3A_445 : i32 to vector<16xi32>
      %add3A_447 = arith.addi %get3A_364, %add3A_446 : vector<16xi32>
      %gather3A_448 = tpu.vector_load_idx %arg10[%add3A_447] : memref<512xf32, #tpu.memory_space<vmem>>[vector<16xi32>], vector<16xf32>,
      %add3A_449 = arith.constant 256 : i32
      %add3A_450 = vector.broadcast %add3A_449 : i32 to vector<16xi32>
      %add3A_451 = arith.addi %get3A_366, %add3A_450 : vector<16xi32>
      %gather3A_452 = tpu.vector_load_idx %arg10[%add3A_451] : memref<512xf32, #tpu.memory_space<vmem>>[vector<16xi32>], vector<16xf32>,
      %add3A_453 = arith.constant 256 : i32
      %add3A_454 = vector.broadcast %add3A_453 : i32 to vector<16xi32>
      %add3A_455 = arith.addi %get3A_368, %add3A_454 : vector<16xi32>
      %gather3A_456 = tpu.vector_load_idx %arg10[%add3A_455] : memref<512xf32, #tpu.memory_space<vmem>>[vector<16xi32>], vector<16xf32>,
      %add3A_457 = arith.constant 256 : i32
      %add3A_458 = vector.broadcast %add3A_457 : i32 to vector<16xi32>
      %add3A_459 = arith.addi %get3A_370, %add3A_458 : vector<16xi32>
      %gather3A_460 = tpu.vector_load_idx %arg10[%add3A_459] : memref<512xf32, #tpu.memory_space<vmem>>[vector<16xi32>], vector<16xf32>,
      %add3A_461 = arith.constant 256 : i32
      %add3A_462 = vector.broadcast %add3A_461 : i32 to vector<16xi32>
      %add3A_463 = arith.addi %get3A_372, %add3A_462 : vector<16xi32>
      %gather3A_464 = tpu.vector_load_idx %arg10[%add3A_463] : memref<512xf32, #tpu.memory_space<vmem>>[vector<16xi32>], vector<16xf32>,
      %add3A_465 = arith.constant 256 : i32
      %add3A_466 = vector.broadcast %add3A_465 : i32 to vector<16xi32>
      %add3A_467 = arith.addi %get3A_374, %add3A_466 : vector<16xi32>
      %gather3A_468 = tpu.vector_load_idx %arg10[%add3A_467] : memref<512xf32, #tpu.memory_space<vmem>>[vector<16xi32>], vector<16xf32>,
      %add3A_469 = arith.constant 256 : i32
      %add3A_470 = vector.broadcast %add3A_469 : i32 to vector<16xi32>
      %add3A_471 = arith.addi %get3A_376, %add3A_470 : vector<16xi32>
      %gather3A_472 = tpu.vector_load_idx %arg10[%add3A_471] : memref<512xf32, #tpu.memory_space<vmem>>[vector<16xi32>], vector<16xf32>,
      %add3A_473 = arith.constant 256 : i32
      %add3A_474 = vector.broadcast %add3A_473 : i32 to vector<16xi32>
      %add3A_475 = arith.addi %get3A_378, %add3A_474 : vector<16xi32>
      %gather3A_476 = tpu.vector_load_idx %arg10[%add3A_475] : memref<512xf32, #tpu.memory_space<vmem>>[vector<16xi32>], vector<16xf32>,
      %add3A_477 = arith.constant 256 : i32
      %add3A_478 = vector.broadcast %add3A_477 : i32 to vector<16xi32>
      %add3A_479 = arith.addi %get3A_380, %add3A_478 : vector<16xi32>
      %gather3A_480 = tpu.vector_load_idx %arg10[%add3A_479] : memref<512xf32, #tpu.memory_space<vmem>>[vector<16xi32>], vector<16xf32>,
      %add3A_481 = arith.constant 256 : i32
      %add3A_482 = vector.broadcast %add3A_481 : i32 to vector<16xi32>
      %add3A_483 = arith.addi %get3A_382, %add3A_482 : vector<16xi32>
      %gather3A_484 = tpu.vector_load_idx %arg10[%add3A_483] : memref<512xf32, #tpu.memory_space<vmem>>[vector<16xi32>], vector<16xf32>,
      %add3A_485 = arith.constant 256 : i32
      %add3A_486 = vector.broadcast %add3A_485 : i32 to vector<16xi32>
      %add3A_487 = arith.addi %get3A_384, %add3A_486 : vector<16xi32>
      %gather3A_488 = tpu.vector_load_idx %arg10[%add3A_487] : memref<512xf32, #tpu.memory_space<vmem>>[vector<16xi32>], vector<16xf32>,
      %add3A_489 = arith.constant 256 : i32
      %add3A_490 = vector.broadcast %add3A_489 : i32 to vector<16xi32>
      %add3A_491 = arith.addi %get3A_386, %add3A_490 : vector<16xi32>
      %gather3A_492 = tpu.vector_load_idx %arg10[%add3A_491] : memref<512xf32, #tpu.memory_space<vmem>>[vector<16xi32>], vector<16xf32>,
      %add3A_493 = arith.constant 256 : i32
      %add3A_494 = vector.broadcast %add3A_493 : i32 to vector<16xi32>
      %add3A_495 = arith.addi %get3A_388, %add3A_494 : vector<16xi32>
      %gather3A_496 = tpu.vector_load_idx %arg10[%add3A_495] : memref<512xf32, #tpu.memory_space<vmem>>[vector<16xi32>], vector<16xf32>,
      %add3A_497 = arith.constant 256 : i32
      %add3A_498 = vector.broadcast %add3A_497 : i32 to vector<16xi32>
      %add3A_499 = arith.addi %get3A_390, %add3A_498 : vector<16xi32>
      %gather3A_500 = tpu.vector_load_idx %arg10[%add3A_499] : memref<512xf32, #tpu.memory_space<vmem>>[vector<16xi32>], vector<16xf32>,
      %swap3A_501 = arith.index_cast %add3A_239 : i32 to index
      %swap3A_502 = tpu.vector_load %arg12[%swap3A_501] {strides = array<i32>} : memref<4096xf32, #tpu.memory_space<vmem>>, vector<16xf32>,
      tpu.vector_store %arg12[%swap3A_501], %gather3A_440 {strides = array<i32>} : memref<4096xf32, #tpu.memory_space<vmem>>, vector<16xf32>,
      %swap3A_503 = arith.index_cast %add3A_247 : i32 to index
      %swap3A_504 = tpu.vector_load %arg12[%swap3A_503] {strides = array<i32>} : memref<4096xf32, #tpu.memory_space<vmem>>, vector<16xf32>,
      tpu.vector_store %arg12[%swap3A_503], %gather3A_444 {strides = array<i32>} : memref<4096xf32, #tpu.memory_space<vmem>>, vector<16xf32>,
      %swap3A_505 = arith.index_cast %add3A_255 : i32 to index
      %swap3A_506 = tpu.vector_load %arg12[%swap3A_505] {strides = array<i32>} : memref<4096xf32, #tpu.memory_space<vmem>>, vector<16xf32>,
      tpu.vector_store %arg12[%swap3A_505], %gather3A_448 {strides = array<i32>} : memref<4096xf32, #tpu.memory_space<vmem>>, vector<16xf32>,
      %swap3A_507 = arith.index_cast %add3A_263 : i32 to index
      %swap3A_508 = tpu.vector_load %arg12[%swap3A_507] {strides = array<i32>} : memref<4096xf32, #tpu.memory_space<vmem>>, vector<16xf32>,
      tpu.vector_store %arg12[%swap3A_507], %gather3A_452 {strides = array<i32>} : memref<4096xf32, #tpu.memory_space<vmem>>, vector<16xf32>,
      %swap3A_509 = arith.index_cast %add3A_271 : i32 to index
      %swap3A_510 = tpu.vector_load %arg12[%swap3A_509] {strides = array<i32>} : memref<4096xf32, #tpu.memory_space<vmem>>, vector<16xf32>,
      tpu.vector_store %arg12[%swap3A_509], %gather3A_456 {strides = array<i32>} : memref<4096xf32, #tpu.memory_space<vmem>>, vector<16xf32>,
      %swap3A_511 = arith.index_cast %add3A_279 : i32 to index
      %swap3A_512 = tpu.vector_load %arg12[%swap3A_511] {strides = array<i32>} : memref<4096xf32, #tpu.memory_space<vmem>>, vector<16xf32>,
      tpu.vector_store %arg12[%swap3A_511], %gather3A_460 {strides = array<i32>} : memref<4096xf32, #tpu.memory_space<vmem>>, vector<16xf32>,
      %swap3A_513 = arith.index_cast %add3A_287 : i32 to index
      %swap3A_514 = tpu.vector_load %arg12[%swap3A_513] {strides = array<i32>} : memref<4096xf32, #tpu.memory_space<vmem>>, vector<16xf32>,
      tpu.vector_store %arg12[%swap3A_513], %gather3A_464 {strides = array<i32>} : memref<4096xf32, #tpu.memory_space<vmem>>, vector<16xf32>,
      %swap3A_515 = arith.index_cast %add3A_295 : i32 to index
      %swap3A_516 = tpu.vector_load %arg12[%swap3A_515] {strides = array<i32>} : memref<4096xf32, #tpu.memory_space<vmem>>, vector<16xf32>,
      tpu.vector_store %arg12[%swap3A_515], %gather3A_468 {strides = array<i32>} : memref<4096xf32, #tpu.memory_space<vmem>>, vector<16xf32>,
      %swap3A_517 = arith.index_cast %add3A_303 : i32 to index
      %swap3A_518 = tpu.vector_load %arg12[%swap3A_517] {strides = array<i32>} : memref<4096xf32, #tpu.memory_space<vmem>>, vector<16xf32>,
      tpu.vector_store %arg12[%swap3A_517], %gather3A_472 {strides = array<i32>} : memref<4096xf32, #tpu.memory_space<vmem>>, vector<16xf32>,
      %swap3A_519 = arith.index_cast %add3A_311 : i32 to index
      %swap3A_520 = tpu.vector_load %arg12[%swap3A_519] {strides = array<i32>} : memref<4096xf32, #tpu.memory_space<vmem>>, vector<16xf32>,
      tpu.vector_store %arg12[%swap3A_519], %gather3A_476 {strides = array<i32>} : memref<4096xf32, #tpu.memory_space<vmem>>, vector<16xf32>,
      %swap3A_521 = arith.index_cast %add3A_319 : i32 to index
      %swap3A_522 = tpu.vector_load %arg12[%swap3A_521] {strides = array<i32>} : memref<4096xf32, #tpu.memory_space<vmem>>, vector<16xf32>,
      tpu.vector_store %arg12[%swap3A_521], %gather3A_480 {strides = array<i32>} : memref<4096xf32, #tpu.memory_space<vmem>>, vector<16xf32>,
      %swap3A_523 = arith.index_cast %add3A_327 : i32 to index
      %swap3A_524 = tpu.vector_load %arg12[%swap3A_523] {strides = array<i32>} : memref<4096xf32, #tpu.memory_space<vmem>>, vector<16xf32>,
      tpu.vector_store %arg12[%swap3A_523], %gather3A_484 {strides = array<i32>} : memref<4096xf32, #tpu.memory_space<vmem>>, vector<16xf32>,
      %swap3A_525 = arith.index_cast %add3A_335 : i32 to index
      %swap3A_526 = tpu.vector_load %arg12[%swap3A_525] {strides = array<i32>} : memref<4096xf32, #tpu.memory_space<vmem>>, vector<16xf32>,
      tpu.vector_store %arg12[%swap3A_525], %gather3A_488 {strides = array<i32>} : memref<4096xf32, #tpu.memory_space<vmem>>, vector<16xf32>,
      %swap3A_527 = arith.index_cast %add3A_343 : i32 to index
      %swap3A_528 = tpu.vector_load %arg12[%swap3A_527] {strides = array<i32>} : memref<4096xf32, #tpu.memory_space<vmem>>, vector<16xf32>,
      tpu.vector_store %arg12[%swap3A_527], %gather3A_492 {strides = array<i32>} : memref<4096xf32, #tpu.memory_space<vmem>>, vector<16xf32>,
      %swap3A_529 = arith.index_cast %add3A_351 : i32 to index
      %swap3A_530 = tpu.vector_load %arg12[%swap3A_529] {strides = array<i32>} : memref<4096xf32, #tpu.memory_space<vmem>>, vector<16xf32>,
      tpu.vector_store %arg12[%swap3A_529], %gather3A_496 {strides = array<i32>} : memref<4096xf32, #tpu.memory_space<vmem>>, vector<16xf32>,
      %swap3A_531 = arith.index_cast %add3A_359 : i32 to index
      %swap3A_532 = tpu.vector_load %arg12[%swap3A_531] {strides = array<i32>} : memref<4096xf32, #tpu.memory_space<vmem>>, vector<16xf32>,
      tpu.vector_store %arg12[%swap3A_531], %gather3A_500 {strides = array<i32>} : memref<4096xf32, #tpu.memory_space<vmem>>, vector<16xf32>,
      %scan3A_533 = arith.constant 0 : i32
      scf.yield %scan3A_533 : i32
    }
    %scan3A_126 = arith.constant 8 : i32
    %scan3A_127 = arith.constant 0 : i32
    %scan3A_128 = arith.constant 0 : i32
    %scan3A_129 = arith.constant 8 : i32
    %scan3A_130 = arith.addi %scan3A_128, %scan3A_129 : i32
    %scan3A_131 = arith.constant 1 : i32
    %scan3A_132 = scf.for %scan3A_230 = %scan3A_128 to %scan3A_130 step %scan3A_131 iter_args(%scan3A_231 = %scan3A_127) -> (i32)  : i32 {
      %mul3A_232 = arith.constant 16 : i32
      %mul3A_233 = arith.muli %scan3A_230, %mul3A_232 : i32
      %add3A_234 = arith.constant 0 : i32
      %add3A_235 = arith.addi %mul3A_233, %add3A_234 : i32
      %mul3A_236 = arith.constant 16 : i32
      %mul3A_237 = arith.muli %add3A_235, %mul3A_236 : i32
      %add3A_238 = arith.constant 2048 : i32
      %add3A_239 = arith.addi %add3A_238, %mul3A_237 : i32
      %mul3A_240 = arith.constant 16 : i32
      %mul3A_241 = arith.muli %scan3A_230, %mul3A_240 : i32
      %add3A_242 = arith.constant 1 : i32
      %add3A_243 = arith.addi %mul3A_241, %add3A_242 : i32
      %mul3A_244 = arith.constant 16 : i32
      %mul3A_245 = arith.muli %add3A_243, %mul3A_244 : i32
      %add3A_246 = arith.constant 2048 : i32
      %add3A_247 = arith.addi %add3A_246, %mul3A_245 : i32
      %mul3A_248 = arith.constant 16 : i32
      %mul3A_249 = arith.muli %scan3A_230, %mul3A_248 : i32
      %add3A_250 = arith.constant 2 : i32
      %add3A_251 = arith.addi %mul3A_249, %add3A_250 : i32
      %mul3A_252 = arith.constant 16 : i32
      %mul3A_253 = arith.muli %add3A_251, %mul3A_252 : i32
      %add3A_254 = arith.constant 2048 : i32
      %add3A_255 = arith.addi %add3A_254, %mul3A_253 : i32
      %mul3A_256 = arith.constant 16 : i32
      %mul3A_257 = arith.muli %scan3A_230, %mul3A_256 : i32
      %add3A_258 = arith.constant 3 : i32
      %add3A_259 = arith.addi %mul3A_257, %add3A_258 : i32
      %mul3A_260 = arith.constant 16 : i32
      %mul3A_261 = arith.muli %add3A_259, %mul3A_260 : i32
      %add3A_262 = arith.constant 2048 : i32
      %add3A_263 = arith.addi %add3A_262, %mul3A_261 : i32
      %mul3A_264 = arith.constant 16 : i32
      %mul3A_265 = arith.muli %scan3A_230, %mul3A_264 : i32
      %add3A_266 = arith.constant 4 : i32
      %add3A_267 = arith.addi %mul3A_265, %add3A_266 : i32
      %mul3A_268 = arith.constant 16 : i32
      %mul3A_269 = arith.muli %add3A_267, %mul3A_268 : i32
      %add3A_270 = arith.constant 2048 : i32
      %add3A_271 = arith.addi %add3A_270, %mul3A_269 : i32
      %mul3A_272 = arith.constant 16 : i32
      %mul3A_273 = arith.muli %scan3A_230, %mul3A_272 : i32
      %add3A_274 = arith.constant 5 : i32
      %add3A_275 = arith.addi %mul3A_273, %add3A_274 : i32
      %mul3A_276 = arith.constant 16 : i32
      %mul3A_277 = arith.muli %add3A_275, %mul3A_276 : i32
      %add3A_278 = arith.constant 2048 : i32
      %add3A_279 = arith.addi %add3A_278, %mul3A_277 : i32
      %mul3A_280 = arith.constant 16 : i32
      %mul3A_281 = arith.muli %scan3A_230, %mul3A_280 : i32
      %add3A_282 = arith.constant 6 : i32
      %add3A_283 = arith.addi %mul3A_281, %add3A_282 : i32
      %mul3A_284 = arith.constant 16 : i32
      %mul3A_285 = arith.muli %add3A_283, %mul3A_284 : i32
      %add3A_286 = arith.constant 2048 : i32
      %add3A_287 = arith.addi %add3A_286, %mul3A_285 : i32
      %mul3A_288 = arith.constant 16 : i32
      %mul3A_289 = arith.muli %scan3A_230, %mul3A_288 : i32
      %add3A_290 = arith.constant 7 : i32
      %add3A_291 = arith.addi %mul3A_289, %add3A_290 : i32
      %mul3A_292 = arith.constant 16 : i32
      %mul3A_293 = arith.muli %add3A_291, %mul3A_292 : i32
      %add3A_294 = arith.constant 2048 : i32
      %add3A_295 = arith.addi %add3A_294, %mul3A_293 : i32
      %mul3A_296 = arith.constant 16 : i32
      %mul3A_297 = arith.muli %scan3A_230, %mul3A_296 : i32
      %add3A_298 = arith.constant 8 : i32
      %add3A_299 = arith.addi %mul3A_297, %add3A_298 : i32
      %mul3A_300 = arith.constant 16 : i32
      %mul3A_301 = arith.muli %add3A_299, %mul3A_300 : i32
      %add3A_302 = arith.constant 2048 : i32
      %add3A_303 = arith.addi %add3A_302, %mul3A_301 : i32
      %mul3A_304 = arith.constant 16 : i32
      %mul3A_305 = arith.muli %scan3A_230, %mul3A_304 : i32
      %add3A_306 = arith.constant 9 : i32
      %add3A_307 = arith.addi %mul3A_305, %add3A_306 : i32
      %mul3A_308 = arith.constant 16 : i32
      %mul3A_309 = arith.muli %add3A_307, %mul3A_308 : i32
      %add3A_310 = arith.constant 2048 : i32
      %add3A_311 = arith.addi %add3A_310, %mul3A_309 : i32
      %mul3A_312 = arith.constant 16 : i32
      %mul3A_313 = arith.muli %scan3A_230, %mul3A_312 : i32
      %add3A_314 = arith.constant 10 : i32
      %add3A_315 = arith.addi %mul3A_313, %add3A_314 : i32
      %mul3A_316 = arith.constant 16 : i32
      %mul3A_317 = arith.muli %add3A_315, %mul3A_316 : i32
      %add3A_318 = arith.constant 2048 : i32
      %add3A_319 = arith.addi %add3A_318, %mul3A_317 : i32
      %mul3A_320 = arith.constant 16 : i32
      %mul3A_321 = arith.muli %scan3A_230, %mul3A_320 : i32
      %add3A_322 = arith.constant 11 : i32
      %add3A_323 = arith.addi %mul3A_321, %add3A_322 : i32
      %mul3A_324 = arith.constant 16 : i32
      %mul3A_325 = arith.muli %add3A_323, %mul3A_324 : i32
      %add3A_326 = arith.constant 2048 : i32
      %add3A_327 = arith.addi %add3A_326, %mul3A_325 : i32
      %mul3A_328 = arith.constant 16 : i32
      %mul3A_329 = arith.muli %scan3A_230, %mul3A_328 : i32
      %add3A_330 = arith.constant 12 : i32
      %add3A_331 = arith.addi %mul3A_329, %add3A_330 : i32
      %mul3A_332 = arith.constant 16 : i32
      %mul3A_333 = arith.muli %add3A_331, %mul3A_332 : i32
      %add3A_334 = arith.constant 2048 : i32
      %add3A_335 = arith.addi %add3A_334, %mul3A_333 : i32
      %mul3A_336 = arith.constant 16 : i32
      %mul3A_337 = arith.muli %scan3A_230, %mul3A_336 : i32
      %add3A_338 = arith.constant 13 : i32
      %add3A_339 = arith.addi %mul3A_337, %add3A_338 : i32
      %mul3A_340 = arith.constant 16 : i32
      %mul3A_341 = arith.muli %add3A_339, %mul3A_340 : i32
      %add3A_342 = arith.constant 2048 : i32
      %add3A_343 = arith.addi %add3A_342, %mul3A_341 : i32
      %mul3A_344 = arith.constant 16 : i32
      %mul3A_345 = arith.muli %scan3A_230, %mul3A_344 : i32
      %add3A_346 = arith.constant 14 : i32
      %add3A_347 = arith.addi %mul3A_345, %add3A_346 : i32
      %mul3A_348 = arith.constant 16 : i32
      %mul3A_349 = arith.muli %add3A_347, %mul3A_348 : i32
      %add3A_350 = arith.constant 2048 : i32
      %add3A_351 = arith.addi %add3A_350, %mul3A_349 : i32
      %mul3A_352 = arith.constant 16 : i32
      %mul3A_353 = arith.muli %scan3A_230, %mul3A_352 : i32
      %add3A_354 = arith.constant 15 : i32
      %add3A_355 = arith.addi %mul3A_353, %add3A_354 : i32
      %mul3A_356 = arith.constant 16 : i32
      %mul3A_357 = arith.muli %add3A_355, %mul3A_356 : i32
      %add3A_358 = arith.constant 2048 : i32
      %add3A_359 = arith.addi %add3A_358, %mul3A_357 : i32
      %get3A = arith.index_cast %add3A_239 : i32 to index
      %get3A_360 = tpu.vector_load %arg9[%get3A] {strides = array<i32>} : memref<4096xi32, #tpu.memory_space<vmem>>, vector<16xi32>,
      %add3A_361 = arith.addi %get3A_360, %add3A_119 : vector<16xi32>
      %get3A_362 = arith.index_cast %add3A_247 : i32 to index
      %get3A_363 = tpu.vector_load %arg9[%get3A_362] {strides = array<i32>} : memref<4096xi32, #tpu.memory_space<vmem>>, vector<16xi32>,
      %add3A_364 = arith.addi %get3A_363, %add3A_119 : vector<16xi32>
      %get3A_365 = arith.index_cast %add3A_255 : i32 to index
      %get3A_366 = tpu.vector_load %arg9[%get3A_365] {strides = array<i32>} : memref<4096xi32, #tpu.memory_space<vmem>>, vector<16xi32>,
      %add3A_367 = arith.addi %get3A_366, %add3A_119 : vector<16xi32>
      %get3A_368 = arith.index_cast %add3A_263 : i32 to index
      %get3A_369 = tpu.vector_load %arg9[%get3A_368] {strides = array<i32>} : memref<4096xi32, #tpu.memory_space<vmem>>, vector<16xi32>,
      %add3A_370 = arith.addi %get3A_369, %add3A_119 : vector<16xi32>
      %get3A_371 = arith.index_cast %add3A_271 : i32 to index
      %get3A_372 = tpu.vector_load %arg9[%get3A_371] {strides = array<i32>} : memref<4096xi32, #tpu.memory_space<vmem>>, vector<16xi32>,
      %add3A_373 = arith.addi %get3A_372, %add3A_119 : vector<16xi32>
      %get3A_374 = arith.index_cast %add3A_279 : i32 to index
      %get3A_375 = tpu.vector_load %arg9[%get3A_374] {strides = array<i32>} : memref<4096xi32, #tpu.memory_space<vmem>>, vector<16xi32>,
      %add3A_376 = arith.addi %get3A_375, %add3A_119 : vector<16xi32>
      %get3A_377 = arith.index_cast %add3A_287 : i32 to index
      %get3A_378 = tpu.vector_load %arg9[%get3A_377] {strides = array<i32>} : memref<4096xi32, #tpu.memory_space<vmem>>, vector<16xi32>,
      %add3A_379 = arith.addi %get3A_378, %add3A_119 : vector<16xi32>
      %get3A_380 = arith.index_cast %add3A_295 : i32 to index
      %get3A_381 = tpu.vector_load %arg9[%get3A_380] {strides = array<i32>} : memref<4096xi32, #tpu.memory_space<vmem>>, vector<16xi32>,
      %add3A_382 = arith.addi %get3A_381, %add3A_119 : vector<16xi32>
      %get3A_383 = arith.index_cast %add3A_303 : i32 to index
      %get3A_384 = tpu.vector_load %arg9[%get3A_383] {strides = array<i32>} : memref<4096xi32, #tpu.memory_space<vmem>>, vector<16xi32>,
      %add3A_385 = arith.addi %get3A_384, %add3A_119 : vector<16xi32>
      %get3A_386 = arith.index_cast %add3A_311 : i32 to index
      %get3A_387 = tpu.vector_load %arg9[%get3A_386] {strides = array<i32>} : memref<4096xi32, #tpu.memory_space<vmem>>, vector<16xi32>,
      %add3A_388 = arith.addi %get3A_387, %add3A_119 : vector<16xi32>
      %get3A_389 = arith.index_cast %add3A_319 : i32 to index
      %get3A_390 = tpu.vector_load %arg9[%get3A_389] {strides = array<i32>} : memref<4096xi32, #tpu.memory_space<vmem>>, vector<16xi32>,
      %add3A_391 = arith.addi %get3A_390, %add3A_119 : vector<16xi32>
      %get3A_392 = arith.index_cast %add3A_327 : i32 to index
      %get3A_393 = tpu.vector_load %arg9[%get3A_392] {strides = array<i32>} : memref<4096xi32, #tpu.memory_space<vmem>>, vector<16xi32>,
      %add3A_394 = arith.addi %get3A_393, %add3A_119 : vector<16xi32>
      %get3A_395 = arith.index_cast %add3A_335 : i32 to index
      %get3A_396 = tpu.vector_load %arg9[%get3A_395] {strides = array<i32>} : memref<4096xi32, #tpu.memory_space<vmem>>, vector<16xi32>,
      %add3A_397 = arith.addi %get3A_396, %add3A_119 : vector<16xi32>
      %get3A_398 = arith.index_cast %add3A_343 : i32 to index
      %get3A_399 = tpu.vector_load %arg9[%get3A_398] {strides = array<i32>} : memref<4096xi32, #tpu.memory_space<vmem>>, vector<16xi32>,
      %add3A_400 = arith.addi %get3A_399, %add3A_119 : vector<16xi32>
      %get3A_401 = arith.index_cast %add3A_351 : i32 to index
      %get3A_402 = tpu.vector_load %arg9[%get3A_401] {strides = array<i32>} : memref<4096xi32, #tpu.memory_space<vmem>>, vector<16xi32>,
      %add3A_403 = arith.addi %get3A_402, %add3A_119 : vector<16xi32>
      %get3A_404 = arith.index_cast %add3A_359 : i32 to index
      %get3A_405 = tpu.vector_load %arg9[%get3A_404] {strides = array<i32>} : memref<4096xi32, #tpu.memory_space<vmem>>, vector<16xi32>,
      %add3A_406 = arith.addi %get3A_405, %add3A_119 : vector<16xi32>
      tpu.vector_store_idx %arg13[%add3A_361], %broadcast_in_dim3A_64 {add = true} : memref<8192xf32, #tpu.memory_space<vmem>>[vector<16xi32>], vector<16xf32>,
      tpu.vector_store_idx %arg13[%add3A_364], %broadcast_in_dim3A_64 {add = true} : memref<8192xf32, #tpu.memory_space<vmem>>[vector<16xi32>], vector<16xf32>,
      tpu.vector_store_idx %arg13[%add3A_367], %broadcast_in_dim3A_64 {add = true} : memref<8192xf32, #tpu.memory_space<vmem>>[vector<16xi32>], vector<16xf32>,
      tpu.vector_store_idx %arg13[%add3A_370], %broadcast_in_dim3A_64 {add = true} : memref<8192xf32, #tpu.memory_space<vmem>>[vector<16xi32>], vector<16xf32>,
      tpu.vector_store_idx %arg13[%add3A_373], %broadcast_in_dim3A_64 {add = true} : memref<8192xf32, #tpu.memory_space<vmem>>[vector<16xi32>], vector<16xf32>,
      tpu.vector_store_idx %arg13[%add3A_376], %broadcast_in_dim3A_64 {add = true} : memref<8192xf32, #tpu.memory_space<vmem>>[vector<16xi32>], vector<16xf32>,
      tpu.vector_store_idx %arg13[%add3A_379], %broadcast_in_dim3A_64 {add = true} : memref<8192xf32, #tpu.memory_space<vmem>>[vector<16xi32>], vector<16xf32>,
      tpu.vector_store_idx %arg13[%add3A_382], %broadcast_in_dim3A_64 {add = true} : memref<8192xf32, #tpu.memory_space<vmem>>[vector<16xi32>], vector<16xf32>,
      tpu.vector_store_idx %arg13[%add3A_385], %broadcast_in_dim3A_64 {add = true} : memref<8192xf32, #tpu.memory_space<vmem>>[vector<16xi32>], vector<16xf32>,
      tpu.vector_store_idx %arg13[%add3A_388], %broadcast_in_dim3A_64 {add = true} : memref<8192xf32, #tpu.memory_space<vmem>>[vector<16xi32>], vector<16xf32>,
      tpu.vector_store_idx %arg13[%add3A_391], %broadcast_in_dim3A_64 {add = true} : memref<8192xf32, #tpu.memory_space<vmem>>[vector<16xi32>], vector<16xf32>,
      tpu.vector_store_idx %arg13[%add3A_394], %broadcast_in_dim3A_64 {add = true} : memref<8192xf32, #tpu.memory_space<vmem>>[vector<16xi32>], vector<16xf32>,
      tpu.vector_store_idx %arg13[%add3A_397], %broadcast_in_dim3A_64 {add = true} : memref<8192xf32, #tpu.memory_space<vmem>>[vector<16xi32>], vector<16xf32>,
      tpu.vector_store_idx %arg13[%add3A_400], %broadcast_in_dim3A_64 {add = true} : memref<8192xf32, #tpu.memory_space<vmem>>[vector<16xi32>], vector<16xf32>,
      tpu.vector_store_idx %arg13[%add3A_403], %broadcast_in_dim3A_64 {add = true} : memref<8192xf32, #tpu.memory_space<vmem>>[vector<16xi32>], vector<16xf32>,
      tpu.vector_store_idx %arg13[%add3A_406], %broadcast_in_dim3A_64 {add = true} : memref<8192xf32, #tpu.memory_space<vmem>>[vector<16xi32>], vector<16xf32>,
      %scan3A_407 = arith.constant 0 : i32
      scf.yield %scan3A_407 : i32
    }
    %scan3A_133 = arith.constant 8 : i32
    %add3A_134 = arith.constant 1 : i32
    %add3A_135 = arith.addi %mul3A_9, %add3A_134 : i32
    %dma_start3A_136 = arith.constant 2048 : i32
    %dma_start3A_137 = tpu.memref_slice %arg11[%dma_start3A_136] : memref<4096xf32, #tpu.memory_space<vmem>> -> memref<2048xf32, #tpu.memory_space<vmem>>
    %dma_start3A_138 = arith.constant 0 : i32
    %dma_start3A_139 = tpu.memref_slice %arg6[%add3A_135, %dma_start3A_138] : memref<64x2048xf32, #tpu.memory_space<hbm>> -> memref<1x2048xf32, #tpu.memory_space<hbm>>
    %dma_start3A_140 = tpu.memref_squeeze %dma_start3A_139 : memref<1x2048xf32, #tpu.memory_space<hbm>> -> memref<2048xf32, #tpu.memory_space<hbm>>
    %dma_start3A_141 = arith.constant 0 : i32
    %dma_start3A_142 = tpu.memref_slice %arg6[%add3A_135, %dma_start3A_141] : memref<64x2048xf32, #tpu.memory_space<hbm>> -> memref<1x2048xf32, #tpu.memory_space<hbm>>
    %dma_start3A_143 = tpu.memref_squeeze %dma_start3A_142 : memref<1x2048xf32, #tpu.memory_space<hbm>> -> memref<2048xf32, #tpu.memory_space<hbm>>
    %dma_start3A_144 = arith.constant 2048 : i32
    %dma_start3A_145 = tpu.memref_slice %arg11[%dma_start3A_144] : memref<4096xf32, #tpu.memory_space<vmem>> -> memref<2048xf32, #tpu.memory_space<vmem>>
    tpu.enqueue_dma source(%dma_start3A_145 : memref<2048xf32, #tpu.memory_space<vmem>>) target(%dma_start3A_143 : memref<2048xf32, #tpu.memory_space<hbm>>) target_semaphore(%arg16 : memref<!tpu.dma_semaphore, #tpu.memory_space<semaphore_mem>>)
    %add3A_146 = arith.constant 1 : i32
    %add3A_147 = arith.addi %mul3A_9, %add3A_146 : i32
    %dma_start3A_148 = arith.constant 2048 : i32
    %dma_start3A_149 = tpu.memref_slice %arg12[%dma_start3A_148] : memref<4096xf32, #tpu.memory_space<vmem>> -> memref<2048xf32, #tpu.memory_space<vmem>>
    %dma_start3A_150 = arith.constant 0 : i32
    %dma_start3A_151 = tpu.memref_slice %arg7[%add3A_147, %dma_start3A_150] : memref<64x2048xf32, #tpu.memory_space<hbm>> -> memref<1x2048xf32, #tpu.memory_space<hbm>>
    %dma_start3A_152 = tpu.memref_squeeze %dma_start3A_151 : memref<1x2048xf32, #tpu.memory_space<hbm>> -> memref<2048xf32, #tpu.memory_space<hbm>>
    %dma_start3A_153 = arith.constant 0 : i32
    %dma_start3A_154 = tpu.memref_slice %arg7[%add3A_147, %dma_start3A_153] : memref<64x2048xf32, #tpu.memory_space<hbm>> -> memref<1x2048xf32, #tpu.memory_space<hbm>>
    %dma_start3A_155 = tpu.memref_squeeze %dma_start3A_154 : memref<1x2048xf32, #tpu.memory_space<hbm>> -> memref<2048xf32, #tpu.memory_space<hbm>>
    %dma_start3A_156 = arith.constant 2048 : i32
    %dma_start3A_157 = tpu.memref_slice %arg12[%dma_start3A_156] : memref<4096xf32, #tpu.memory_space<vmem>> -> memref<2048xf32, #tpu.memory_space<vmem>>
    tpu.enqueue_dma source(%dma_start3A_157 : memref<2048xf32, #tpu.memory_space<vmem>>) target(%dma_start3A_155 : memref<2048xf32, #tpu.memory_space<hbm>>) target_semaphore(%arg16 : memref<!tpu.dma_semaphore, #tpu.memory_space<semaphore_mem>>)
    %add3A_158 = arith.constant 1 : i32
    %add3A_159 = arith.addi %mul3A_9, %add3A_158 : i32
    %dma_start3A_160 = arith.constant 4096 : i32
    %dma_start3A_161 = tpu.memref_slice %arg13[%dma_start3A_160] : memref<8192xf32, #tpu.memory_space<vmem>> -> memref<4096xf32, #tpu.memory_space<vmem>>
    %dma_start3A_162 = arith.constant 0 : i32
    %dma_start3A_163 = tpu.memref_slice %arg8[%add3A_159, %dma_start3A_162] : memref<64x4096xf32, #tpu.memory_space<hbm>> -> memref<1x4096xf32, #tpu.memory_space<hbm>>
    %dma_start3A_164 = tpu.memref_squeeze %dma_start3A_163 : memref<1x4096xf32, #tpu.memory_space<hbm>> -> memref<4096xf32, #tpu.memory_space<hbm>>
    %dma_start3A_165 = arith.constant 0 : i32
    %dma_start3A_166 = tpu.memref_slice %arg8[%add3A_159, %dma_start3A_165] : memref<64x4096xf32, #tpu.memory_space<hbm>> -> memref<1x4096xf32, #tpu.memory_space<hbm>>
    %dma_start3A_167 = tpu.memref_squeeze %dma_start3A_166 : memref<1x4096xf32, #tpu.memory_space<hbm>> -> memref<4096xf32, #tpu.memory_space<hbm>>
    %dma_start3A_168 = arith.constant 4096 : i32
    %dma_start3A_169 = tpu.memref_slice %arg13[%dma_start3A_168] : memref<8192xf32, #tpu.memory_space<vmem>> -> memref<4096xf32, #tpu.memory_space<vmem>>
    tpu.enqueue_dma source(%dma_start3A_169 : memref<4096xf32, #tpu.memory_space<vmem>>) target(%dma_start3A_167 : memref<4096xf32, #tpu.memory_space<hbm>>) target_semaphore(%arg16 : memref<!tpu.dma_semaphore, #tpu.memory_space<semaphore_mem>>)
    %dma_wait3A_170 = arith.constant 0 : i32
    %dma_wait3A_171 = tpu.memref_slice %arg11[%dma_wait3A_170] : memref<4096xf32, #tpu.memory_space<vmem>> -> memref<2048xf32, #tpu.memory_space<vmem>>
    %dma_wait3A_172 = arith.constant 0 : i32
    %dma_wait3A_173 = tpu.memref_slice %arg6[%add3A_82, %dma_wait3A_172] : memref<64x2048xf32, #tpu.memory_space<hbm>> -> memref<1x2048xf32, #tpu.memory_space<hbm>>
    %dma_wait3A_174 = tpu.memref_squeeze %dma_wait3A_173 : memref<1x2048xf32, #tpu.memory_space<hbm>> -> memref<2048xf32, #tpu.memory_space<hbm>>
    %dma_wait3A_175 = arith.constant 0 : i32
    %dma_wait3A_176 = tpu.memref_slice %arg6[%add3A_82, %dma_wait3A_175] : memref<64x2048xf32, #tpu.memory_space<hbm>> -> memref<1x2048xf32, #tpu.memory_space<hbm>>
    %dma_wait3A_177 = tpu.memref_squeeze %dma_wait3A_176 : memref<1x2048xf32, #tpu.memory_space<hbm>> -> memref<2048xf32, #tpu.memory_space<hbm>>
    %dma_wait3A_178 = arith.constant 0 : i32
    %dma_wait3A_179 = tpu.memref_slice %arg11[%dma_wait3A_178] : memref<4096xf32, #tpu.memory_space<vmem>> -> memref<2048xf32, #tpu.memory_space<vmem>>
    tpu.wait_dma2 semaphore(%arg16 : memref<!tpu.dma_semaphore, #tpu.memory_space<semaphore_mem>>) src(%dma_wait3A_179 : memref<2048xf32, #tpu.memory_space<vmem>>) dst(%dma_wait3A_177 : memref<2048xf32, #tpu.memory_space<hbm>>)
    %dma_wait3A_180 = arith.constant 0 : i32
    %dma_wait3A_181 = tpu.memref_slice %arg12[%dma_wait3A_180] : memref<4096xf32, #tpu.memory_space<vmem>> -> memref<2048xf32, #tpu.memory_space<vmem>>
    %dma_wait3A_182 = arith.constant 0 : i32
    %dma_wait3A_183 = tpu.memref_slice %arg7[%add3A_94, %dma_wait3A_182] : memref<64x2048xf32, #tpu.memory_space<hbm>> -> memref<1x2048xf32, #tpu.memory_space<hbm>>
    %dma_wait3A_184 = tpu.memref_squeeze %dma_wait3A_183 : memref<1x2048xf32, #tpu.memory_space<hbm>> -> memref<2048xf32, #tpu.memory_space<hbm>>
    %dma_wait3A_185 = arith.constant 0 : i32
    %dma_wait3A_186 = tpu.memref_slice %arg7[%add3A_94, %dma_wait3A_185] : memref<64x2048xf32, #tpu.memory_space<hbm>> -> memref<1x2048xf32, #tpu.memory_space<hbm>>
    %dma_wait3A_187 = tpu.memref_squeeze %dma_wait3A_186 : memref<1x2048xf32, #tpu.memory_space<hbm>> -> memref<2048xf32, #tpu.memory_space<hbm>>
    %dma_wait3A_188 = arith.constant 0 : i32
    %dma_wait3A_189 = tpu.memref_slice %arg12[%dma_wait3A_188] : memref<4096xf32, #tpu.memory_space<vmem>> -> memref<2048xf32, #tpu.memory_space<vmem>>
    tpu.wait_dma2 semaphore(%arg16 : memref<!tpu.dma_semaphore, #tpu.memory_space<semaphore_mem>>) src(%dma_wait3A_189 : memref<2048xf32, #tpu.memory_space<vmem>>) dst(%dma_wait3A_187 : memref<2048xf32, #tpu.memory_space<hbm>>)
    %dma_wait3A_190 = arith.constant 0 : i32
    %dma_wait3A_191 = tpu.memref_slice %arg13[%dma_wait3A_190] : memref<8192xf32, #tpu.memory_space<vmem>> -> memref<4096xf32, #tpu.memory_space<vmem>>
    %dma_wait3A_192 = arith.constant 0 : i32
    %dma_wait3A_193 = tpu.memref_slice %arg8[%add3A_106, %dma_wait3A_192] : memref<64x4096xf32, #tpu.memory_space<hbm>> -> memref<1x4096xf32, #tpu.memory_space<hbm>>
    %dma_wait3A_194 = tpu.memref_squeeze %dma_wait3A_193 : memref<1x4096xf32, #tpu.memory_space<hbm>> -> memref<4096xf32, #tpu.memory_space<hbm>>
    %dma_wait3A_195 = arith.constant 0 : i32
    %dma_wait3A_196 = tpu.memref_slice %arg8[%add3A_106, %dma_wait3A_195] : memref<64x4096xf32, #tpu.memory_space<hbm>> -> memref<1x4096xf32, #tpu.memory_space<hbm>>
    %dma_wait3A_197 = tpu.memref_squeeze %dma_wait3A_196 : memref<1x4096xf32, #tpu.memory_space<hbm>> -> memref<4096xf32, #tpu.memory_space<hbm>>
    %dma_wait3A_198 = arith.constant 0 : i32
    %dma_wait3A_199 = tpu.memref_slice %arg13[%dma_wait3A_198] : memref<8192xf32, #tpu.memory_space<vmem>> -> memref<4096xf32, #tpu.memory_space<vmem>>
    tpu.wait_dma2 semaphore(%arg16 : memref<!tpu.dma_semaphore, #tpu.memory_space<semaphore_mem>>) src(%dma_wait3A_199 : memref<4096xf32, #tpu.memory_space<vmem>>) dst(%dma_wait3A_197 : memref<4096xf32, #tpu.memory_space<hbm>>)
    %dma_wait3A_200 = arith.constant 2048 : i32
    %dma_wait3A_201 = tpu.memref_slice %arg11[%dma_wait3A_200] : memref<4096xf32, #tpu.memory_space<vmem>> -> memref<2048xf32, #tpu.memory_space<vmem>>
    %dma_wait3A_202 = arith.constant 0 : i32
    %dma_wait3A_203 = tpu.memref_slice %arg6[%add3A_135, %dma_wait3A_202] : memref<64x2048xf32, #tpu.memory_space<hbm>> -> memref<1x2048xf32, #tpu.memory_space<hbm>>
    %dma_wait3A_204 = tpu.memref_squeeze %dma_wait3A_203 : memref<1x2048xf32, #tpu.memory_space<hbm>> -> memref<2048xf32, #tpu.memory_space<hbm>>
    %dma_wait3A_205 = arith.constant 0 : i32
    %dma_wait3A_206 = tpu.memref_slice %arg6[%add3A_135, %dma_wait3A_205] : memref<64x2048xf32, #tpu.memory_space<hbm>> -> memref<1x2048xf32, #tpu.memory_space<hbm>>
    %dma_wait3A_207 = tpu.memref_squeeze %dma_wait3A_206 : memref<1x2048xf32, #tpu.memory_space<hbm>> -> memref<2048xf32, #tpu.memory_space<hbm>>
    %dma_wait3A_208 = arith.constant 2048 : i32
    %dma_wait3A_209 = tpu.memref_slice %arg11[%dma_wait3A_208] : memref<4096xf32, #tpu.memory_space<vmem>> -> memref<2048xf32, #tpu.memory_space<vmem>>
    tpu.wait_dma2 semaphore(%arg16 : memref<!tpu.dma_semaphore, #tpu.memory_space<semaphore_mem>>) src(%dma_wait3A_209 : memref<2048xf32, #tpu.memory_space<vmem>>) dst(%dma_wait3A_207 : memref<2048xf32, #tpu.memory_space<hbm>>)
    %dma_wait3A_210 = arith.constant 2048 : i32
    %dma_wait3A_211 = tpu.memref_slice %arg12[%dma_wait3A_210] : memref<4096xf32, #tpu.memory_space<vmem>> -> memref<2048xf32, #tpu.memory_space<vmem>>
    %dma_wait3A_212 = arith.constant 0 : i32
    %dma_wait3A_213 = tpu.memref_slice %arg7[%add3A_147, %dma_wait3A_212] : memref<64x2048xf32, #tpu.memory_space<hbm>> -> memref<1x2048xf32, #tpu.memory_space<hbm>>
    %dma_wait3A_214 = tpu.memref_squeeze %dma_wait3A_213 : memref<1x2048xf32, #tpu.memory_space<hbm>> -> memref<2048xf32, #tpu.memory_space<hbm>>
    %dma_wait3A_215 = arith.constant 0 : i32
    %dma_wait3A_216 = tpu.memref_slice %arg7[%add3A_147, %dma_wait3A_215] : memref<64x2048xf32, #tpu.memory_space<hbm>> -> memref<1x2048xf32, #tpu.memory_space<hbm>>
    %dma_wait3A_217 = tpu.memref_squeeze %dma_wait3A_216 : memref<1x2048xf32, #tpu.memory_space<hbm>> -> memref<2048xf32, #tpu.memory_space<hbm>>
    %dma_wait3A_218 = arith.constant 2048 : i32
    %dma_wait3A_219 = tpu.memref_slice %arg12[%dma_wait3A_218] : memref<4096xf32, #tpu.memory_space<vmem>> -> memref<2048xf32, #tpu.memory_space<vmem>>
    tpu.wait_dma2 semaphore(%arg16 : memref<!tpu.dma_semaphore, #tpu.memory_space<semaphore_mem>>) src(%dma_wait3A_219 : memref<2048xf32, #tpu.memory_space<vmem>>) dst(%dma_wait3A_217 : memref<2048xf32, #tpu.memory_space<hbm>>)
    %dma_wait3A_220 = arith.constant 4096 : i32
    %dma_wait3A_221 = tpu.memref_slice %arg13[%dma_wait3A_220] : memref<8192xf32, #tpu.memory_space<vmem>> -> memref<4096xf32, #tpu.memory_space<vmem>>
    %dma_wait3A_222 = arith.constant 0 : i32
    %dma_wait3A_223 = tpu.memref_slice %arg8[%add3A_159, %dma_wait3A_222] : memref<64x4096xf32, #tpu.memory_space<hbm>> -> memref<1x4096xf32, #tpu.memory_space<hbm>>
    %dma_wait3A_224 = tpu.memref_squeeze %dma_wait3A_223 : memref<1x4096xf32, #tpu.memory_space<hbm>> -> memref<4096xf32, #tpu.memory_space<hbm>>
    %dma_wait3A_225 = arith.constant 0 : i32
    %dma_wait3A_226 = tpu.memref_slice %arg8[%add3A_159, %dma_wait3A_225] : memref<64x4096xf32, #tpu.memory_space<hbm>> -> memref<1x4096xf32, #tpu.memory_space<hbm>>
    %dma_wait3A_227 = tpu.memref_squeeze %dma_wait3A_226 : memref<1x4096xf32, #tpu.memory_space<hbm>> -> memref<4096xf32, #tpu.memory_space<hbm>>
    %dma_wait3A_228 = arith.constant 4096 : i32
    %dma_wait3A_229 = tpu.memref_slice %arg13[%dma_wait3A_228] : memref<8192xf32, #tpu.memory_space<vmem>> -> memref<4096xf32, #tpu.memory_space<vmem>>
    tpu.wait_dma2 semaphore(%arg16 : memref<!tpu.dma_semaphore, #tpu.memory_space<semaphore_mem>>) src(%dma_wait3A_229 : memref<4096xf32, #tpu.memory_space<vmem>>) dst(%dma_wait3A_227 : memref<4096xf32, #tpu.memory_space<hbm>>)
    return
  }
}

module attributes {stable_mosaic.version = 14 : i64} {
  func.func @_tables_body(%arg0: memref<256x128xf32, #tpu.memory_space<vmem>>, %arg1: memref<128x256xf32, #tpu.memory_space<vmem>>, %arg2: memref<1x256xf32, #tpu.memory_space<vmem>>, %arg3: memref<256x1xf32, #tpu.memory_space<vmem>>, %arg4: memref<1x1xf32, #tpu.memory_space<vmem>>, %arg5: memref<256x1xf32, #tpu.memory_space<vmem>>) attributes {dimension_semantics = [], scalar_prefetch = 0 : i64, scratch_operands = 0 : i64, tpu.core_type = #tpu.core_type<tc>} {
    %get3A = arith.constant 0 : index
    %get3A_0 = arith.constant 0 : index
    %get3A_1 = vector.load %arg0[%get3A, %get3A_0] : memref<256x128xf32, #tpu.memory_space<vmem>>, vector<256x128xf32>
    %get3A_2 = arith.constant 0 : index
    %get3A_3 = arith.constant 0 : index
    %get3A_4 = vector.load %arg1[%get3A_2, %get3A_3] : memref<128x256xf32, #tpu.memory_space<vmem>>, vector<128x256xf32>
    %dot_general3A = arith.constant dense<0.000000e+00> : vector<256x256xf32>
    %dot_general3A_5 = tpu.matmul %get3A_1, %get3A_4, %dot_general3A {dimension_numbers = #tpu.dot_dimension_numbers<[1], [0], [0], [1], [0, 0, 1, 1], [], []>, transpose_lhs_hint = false} : vector<256x128xf32>, vector<128x256xf32>, vector<256x256xf32> -> vector<256x256xf32>
    %get3A_6 = arith.constant 0 : index
    %get3A_7 = arith.constant 0 : index
    %get3A_8 = vector.load %arg2[%get3A_6, %get3A_7] : memref<1x256xf32, #tpu.memory_space<vmem>>, vector<1x256xf32>
    %add3A = vector.broadcast %get3A_8 : vector<1x256xf32> to vector<256x256xf32>
    %add3A_9 = arith.addf %dot_general3A_5, %add3A : vector<256x256xf32>
    %max3A = arith.constant 0.000000e+00 : f32
    %max3A_10 = vector.broadcast %max3A : f32 to vector<256x256xf32>
    %max3A_11 = arith.maximumf %add3A_9, %max3A_10 : vector<256x256xf32>
    %get3A_12 = arith.constant 0 : index
    %get3A_13 = arith.constant 0 : index
    %get3A_14 = vector.load %arg3[%get3A_12, %get3A_13] : memref<256x1xf32, #tpu.memory_space<vmem>>, vector<256x1xf32>
    %dot_general3A_15 = arith.constant dense<0.000000e+00> : vector<256x1xf32>
    %dot_general3A_16 = tpu.matmul %max3A_11, %get3A_14, %dot_general3A_15 {dimension_numbers = #tpu.dot_dimension_numbers<[1], [0], [0], [1], [0, 0, 1, 1], [], []>, transpose_lhs_hint = false} : vector<256x256xf32>, vector<256x1xf32>, vector<256x1xf32> -> vector<256x1xf32>
    %get3A_17 = arith.constant 0 : index
    %get3A_18 = arith.constant 0 : index
    %get3A_19 = vector.load %arg4[%get3A_17, %get3A_18] : memref<1x1xf32, #tpu.memory_space<vmem>>, vector<1x1xf32>
    %get3A_20 = vector.extract %get3A_19[0, 0] : f32 from vector<1x1xf32>
    %add3A_21 = vector.broadcast %get3A_20 : f32 to vector<256x1xf32>
    %add3A_22 = arith.addf %dot_general3A_16, %add3A_21 : vector<256x1xf32>
    %swap3A = arith.constant 0 : index
    %swap3A_23 = arith.constant 0 : index
    %swap3A_24 = vector.load %arg5[%swap3A, %swap3A_23] : memref<256x1xf32, #tpu.memory_space<vmem>>, vector<256x1xf32>
    tpu.vector_store %arg5[%swap3A, %swap3A_23], %add3A_22 {strides = array<i32>} : memref<256x1xf32, #tpu.memory_space<vmem>>, vector<256x1xf32>,
    return
  }
}

module attributes {stable_mosaic.version = 14 : i64} {
  func.func @_final_body(%arg0: memref<64x4096xf32, #tpu.memory_space<vmem>>, %arg1: memref<1x256xf32, #tpu.memory_space<vmem>>, %arg2: memref<256x1xf32, #tpu.memory_space<vmem>>, %arg3: memref<1x256xf32, #tpu.memory_space<vmem>>, %arg4: memref<256x64xf32, #tpu.memory_space<vmem>>, %arg5: memref<64x1xf32, #tpu.memory_space<vmem>>, %arg6: memref<1x1xf32, #tpu.memory_space<vmem>>, %arg7: memref<64x1xf32, #tpu.memory_space<vmem>>, %arg8: memref<64x1xi32, #tpu.memory_space<vmem>>) attributes {dimension_semantics = [], scalar_prefetch = 0 : i64, scratch_operands = 0 : i64, tpu.core_type = #tpu.core_type<tc>} {
    %get3A = arith.constant 0 : index
    %get3A_0 = arith.constant 0 : index
    %get3A_1 = vector.load %arg0[%get3A, %get3A_0] : memref<64x4096xf32, #tpu.memory_space<vmem>>, vector<64x256xf32>
    %get3A_2 = arith.constant 0 : index
    %get3A_3 = arith.constant 256 : index
    %get3A_4 = vector.load %arg0[%get3A_2, %get3A_3] : memref<64x4096xf32, #tpu.memory_space<vmem>>, vector<64x256xf32>
    %add3A = arith.addf %get3A_1, %get3A_4 : vector<64x256xf32>
    %get3A_5 = arith.constant 0 : index
    %get3A_6 = arith.constant 512 : index
    %get3A_7 = vector.load %arg0[%get3A_5, %get3A_6] : memref<64x4096xf32, #tpu.memory_space<vmem>>, vector<64x256xf32>
    %add3A_8 = arith.addf %add3A, %get3A_7 : vector<64x256xf32>
    %get3A_9 = arith.constant 0 : index
    %get3A_10 = arith.constant 768 : index
    %get3A_11 = vector.load %arg0[%get3A_9, %get3A_10] : memref<64x4096xf32, #tpu.memory_space<vmem>>, vector<64x256xf32>
    %add3A_12 = arith.addf %add3A_8, %get3A_11 : vector<64x256xf32>
    %get3A_13 = arith.constant 0 : index
    %get3A_14 = arith.constant 1024 : index
    %get3A_15 = vector.load %arg0[%get3A_13, %get3A_14] : memref<64x4096xf32, #tpu.memory_space<vmem>>, vector<64x256xf32>
    %add3A_16 = arith.addf %add3A_12, %get3A_15 : vector<64x256xf32>
    %get3A_17 = arith.constant 0 : index
    %get3A_18 = arith.constant 1280 : index
    %get3A_19 = vector.load %arg0[%get3A_17, %get3A_18] : memref<64x4096xf32, #tpu.memory_space<vmem>>, vector<64x256xf32>
    %add3A_20 = arith.addf %add3A_16, %get3A_19 : vector<64x256xf32>
    %get3A_21 = arith.constant 0 : index
    %get3A_22 = arith.constant 1536 : index
    %get3A_23 = vector.load %arg0[%get3A_21, %get3A_22] : memref<64x4096xf32, #tpu.memory_space<vmem>>, vector<64x256xf32>
    %add3A_24 = arith.addf %add3A_20, %get3A_23 : vector<64x256xf32>
    %get3A_25 = arith.constant 0 : index
    %get3A_26 = arith.constant 1792 : index
    %get3A_27 = vector.load %arg0[%get3A_25, %get3A_26] : memref<64x4096xf32, #tpu.memory_space<vmem>>, vector<64x256xf32>
    %add3A_28 = arith.addf %add3A_24, %get3A_27 : vector<64x256xf32>
    %get3A_29 = arith.constant 0 : index
    %get3A_30 = arith.constant 2048 : index
    %get3A_31 = vector.load %arg0[%get3A_29, %get3A_30] : memref<64x4096xf32, #tpu.memory_space<vmem>>, vector<64x256xf32>
    %add3A_32 = arith.addf %add3A_28, %get3A_31 : vector<64x256xf32>
    %get3A_33 = arith.constant 0 : index
    %get3A_34 = arith.constant 2304 : index
    %get3A_35 = vector.load %arg0[%get3A_33, %get3A_34] : memref<64x4096xf32, #tpu.memory_space<vmem>>, vector<64x256xf32>
    %add3A_36 = arith.addf %add3A_32, %get3A_35 : vector<64x256xf32>
    %get3A_37 = arith.constant 0 : index
    %get3A_38 = arith.constant 2560 : index
    %get3A_39 = vector.load %arg0[%get3A_37, %get3A_38] : memref<64x4096xf32, #tpu.memory_space<vmem>>, vector<64x256xf32>
    %add3A_40 = arith.addf %add3A_36, %get3A_39 : vector<64x256xf32>
    %get3A_41 = arith.constant 0 : index
    %get3A_42 = arith.constant 2816 : index
    %get3A_43 = vector.load %arg0[%get3A_41, %get3A_42] : memref<64x4096xf32, #tpu.memory_space<vmem>>, vector<64x256xf32>
    %add3A_44 = arith.addf %add3A_40, %get3A_43 : vector<64x256xf32>
    %get3A_45 = arith.constant 0 : index
    %get3A_46 = arith.constant 3072 : index
    %get3A_47 = vector.load %arg0[%get3A_45, %get3A_46] : memref<64x4096xf32, #tpu.memory_space<vmem>>, vector<64x256xf32>
    %add3A_48 = arith.addf %add3A_44, %get3A_47 : vector<64x256xf32>
    %get3A_49 = arith.constant 0 : index
    %get3A_50 = arith.constant 3328 : index
    %get3A_51 = vector.load %arg0[%get3A_49, %get3A_50] : memref<64x4096xf32, #tpu.memory_space<vmem>>, vector<64x256xf32>
    %add3A_52 = arith.addf %add3A_48, %get3A_51 : vector<64x256xf32>
    %get3A_53 = arith.constant 0 : index
    %get3A_54 = arith.constant 3584 : index
    %get3A_55 = vector.load %arg0[%get3A_53, %get3A_54] : memref<64x4096xf32, #tpu.memory_space<vmem>>, vector<64x256xf32>
    %add3A_56 = arith.addf %add3A_52, %get3A_55 : vector<64x256xf32>
    %get3A_57 = arith.constant 0 : index
    %get3A_58 = arith.constant 3840 : index
    %get3A_59 = vector.load %arg0[%get3A_57, %get3A_58] : memref<64x4096xf32, #tpu.memory_space<vmem>>, vector<64x256xf32>
    %add3A_60 = arith.addf %add3A_56, %get3A_59 : vector<64x256xf32>
    %get3A_61 = arith.constant 0 : index
    %get3A_62 = arith.constant 0 : index
    %get3A_63 = vector.load %arg1[%get3A_61, %get3A_62] : memref<1x256xf32, #tpu.memory_space<vmem>>, vector<1x256xf32>
    %mul3A = vector.broadcast %get3A_63 : vector<1x256xf32> to vector<64x256xf32>
    %mul3A_64 = arith.mulf %add3A_60, %mul3A : vector<64x256xf32>
    %reduce_sum3A = arith.constant dense<0.000000e+00> : vector<64xf32>
    %reduce_sum3A_65 = vector.multi_reduction <add>, %mul3A_64, %reduce_sum3A [1] : vector<64x256xf32> to vector<64xf32>
    %broadcast_in_dim3A = vector.shape_cast %reduce_sum3A_65 : vector<64xf32> to vector<64x1xf32>
    %get3A_66 = arith.constant 0 : index
    %get3A_67 = arith.constant 0 : index
    %get3A_68 = vector.load %arg2[%get3A_66, %get3A_67] : memref<256x1xf32, #tpu.memory_space<vmem>>, vector<256x1xf32>
    %get3A_69 = arith.constant 0 : index
    %get3A_70 = arith.constant 0 : index
    %get3A_71 = vector.load %arg3[%get3A_69, %get3A_70] : memref<1x256xf32, #tpu.memory_space<vmem>>, vector<1x256xf32>
    %iota3A = tpu.iota {dimensions = array<i32: 0>} : vector<256x256xi32>
    %iota3A_72 = tpu.iota {dimensions = array<i32: 1>} : vector<256x256xi32>
    %gt3A = vector.broadcast %get3A_68 : vector<256x1xf32> to vector<256x256xf32>
    %gt3A_73 = vector.broadcast %get3A_71 : vector<1x256xf32> to vector<256x256xf32>
    %gt3A_74 = arith.cmpf ogt, %gt3A, %gt3A_73 : vector<256x256xf32>
    %eq3A = vector.broadcast %get3A_68 : vector<256x1xf32> to vector<256x256xf32>
    %eq3A_75 = vector.broadcast %get3A_71 : vector<1x256xf32> to vector<256x256xf32>
    %eq3A_76 = arith.cmpf oeq, %eq3A, %eq3A_75 : vector<256x256xf32>
    %lt3A = arith.cmpi slt, %iota3A, %iota3A_72 : vector<256x256xi32>
    %and3A = arith.andi %eq3A_76, %lt3A : vector<256x256xi1>
    %or3A = arith.ori %gt3A_74, %and3A : vector<256x256xi1>
    %jit3A = arith.constant 1.000000e+00 : f32
    %jit3A_77 = arith.constant 0.000000e+00 : f32
    %broadcast_in_dim3A_78 = vector.broadcast %jit3A : f32 to vector<256x256xf32>
    %broadcast_in_dim3A_79 = vector.broadcast %jit3A_77 : f32 to vector<256x256xf32>
    %select_n3A = arith.select %or3A, %broadcast_in_dim3A_78, %broadcast_in_dim3A_79 : vector<256x256xi1>, vector<256x256xf32>
    %dot_general3A = arith.constant dense<0.000000e+00> : vector<64x256xf32>
    %dot_general3A_80 = tpu.matmul %add3A_60, %select_n3A, %dot_general3A {dimension_numbers = #tpu.dot_dimension_numbers<[1], [0], [0], [1], [0, 0, 1, 1], [], []>, precision = #tpu.contract_precision<fp32>, transpose_lhs_hint = false} : vector<64x256xf32>, vector<256x256xf32>, vector<64x256xf32> -> vector<64x256xf32>
    %sub3A = arith.constant 4.000000e+00 : f32
    %sub3A_81 = vector.broadcast %sub3A : f32 to vector<64x256xf32>
    %sub3A_82 = arith.subf %sub3A_81, %dot_general3A_80 : vector<64x256xf32>
    %max3A = arith.constant 0.000000e+00 : f32
    %max3A_83 = vector.broadcast %max3A : f32 to vector<64x256xf32>
    %max3A_84 = arith.maximumf %sub3A_82, %max3A_83 : vector<64x256xf32>
    %min3A = arith.minimumf %max3A_84, %add3A_60 : vector<64x256xf32>
    %lt3A_85 = arith.constant 4.000000e+00 : f32
    %lt3A_86 = vector.broadcast %lt3A_85 : f32 to vector<64x1xf32>
    %lt3A_87 = arith.cmpf olt, %broadcast_in_dim3A, %lt3A_86 : vector<64x1xf32>
    %broadcast_in_dim3A_88 = vector.shape_cast %lt3A_87 : vector<64x1xi1> to vector<64x1xi1>
    %broadcast_in_dim3A_89 = vector.broadcast %broadcast_in_dim3A_88 : vector<64x1xi1> to vector<64x256xi1>
    %select_n3A_90 = arith.select %broadcast_in_dim3A_89, %min3A, %mul3A_64 : vector<64x256xi1>, vector<64x256xf32>
    %get3A_91 = arith.constant 0 : index
    %get3A_92 = arith.constant 0 : index
    %get3A_93 = vector.load %arg4[%get3A_91, %get3A_92] : memref<256x64xf32, #tpu.memory_space<vmem>>, vector<256x64xf32>
    %dot_general3A_94 = arith.constant dense<0.000000e+00> : vector<64x64xf32>
    %dot_general3A_95 = tpu.matmul %select_n3A_90, %get3A_93, %dot_general3A_94 {dimension_numbers = #tpu.dot_dimension_numbers<[1], [0], [0], [1], [0, 0, 1, 1], [], []>, precision = #tpu.contract_precision<fp32>, transpose_lhs_hint = false} : vector<64x256xf32>, vector<256x64xf32>, vector<64x64xf32> -> vector<64x64xf32>
    %jit3A_96 = arith.constant 4.000000e+00 : f32
    %broadcast_in_dim3A_97 = vector.broadcast %jit3A_96 : f32 to vector<64x1xf32>
    %select_n3A_98 = arith.select %lt3A_87, %broadcast_in_dim3A_97, %broadcast_in_dim3A : vector<64x1xi1>, vector<64x1xf32>
    %max3A_99 = arith.constant 1.000000e+00 : f32
    %max3A_100 = vector.broadcast %max3A_99 : f32 to vector<64x1xf32>
    %max3A_101 = arith.maximumf %select_n3A_98, %max3A_100 : vector<64x1xf32>
    %div3A = vector.broadcast %max3A_101 : vector<64x1xf32> to vector<64x64xf32>
    %div3A_102 = arith.divf %dot_general3A_95, %div3A : vector<64x64xf32>
    %get3A_103 = arith.constant 0 : index
    %get3A_104 = arith.constant 0 : index
    %get3A_105 = vector.load %arg5[%get3A_103, %get3A_104] : memref<64x1xf32, #tpu.memory_space<vmem>>, vector<64x1xf32>
    %dot_general3A_106 = arith.constant dense<0.000000e+00> : vector<64x1xf32>
    %dot_general3A_107 = tpu.matmul %div3A_102, %get3A_105, %dot_general3A_106 {dimension_numbers = #tpu.dot_dimension_numbers<[1], [0], [0], [1], [0, 0, 1, 1], [], []>, transpose_lhs_hint = false} : vector<64x64xf32>, vector<64x1xf32>, vector<64x1xf32> -> vector<64x1xf32>
    %get3A_108 = arith.constant 0 : index
    %get3A_109 = arith.constant 0 : index
    %get3A_110 = vector.load %arg6[%get3A_108, %get3A_109] : memref<1x1xf32, #tpu.memory_space<vmem>>, vector<1x1xf32>
    %get3A_111 = vector.extract %get3A_110[0, 0] : f32 from vector<1x1xf32>
    %add3A_112 = vector.broadcast %get3A_111 : f32 to vector<64x1xf32>
    %add3A_113 = arith.addf %dot_general3A_107, %add3A_112 : vector<64x1xf32>
    %swap3A = arith.constant 0 : index
    %swap3A_114 = arith.constant 0 : index
    %swap3A_115 = vector.load %arg7[%swap3A, %swap3A_114] : memref<64x1xf32, #tpu.memory_space<vmem>>, vector<64x1xf32>
    tpu.vector_store %arg7[%swap3A, %swap3A_114], %add3A_113 {strides = array<i32>} : memref<64x1xf32, #tpu.memory_space<vmem>>, vector<64x1xf32>,
    %convert_element_type3A = arith.fptosi %select_n3A_98 : vector<64x1xf32> to vector<64x1xi32>
    %swap3A_116 = arith.constant 0 : index
    %swap3A_117 = arith.constant 0 : index
    %swap3A_118 = vector.load %arg8[%swap3A_116, %swap3A_117] : memref<64x1xi32, #tpu.memory_space<vmem>>, vector<64x1xi32>
    tpu.vector_store %arg8[%swap3A_116, %swap3A_117], %convert_element_type3A {strides = array<i32>} : memref<64x1xi32, #tpu.memory_space<vmem>>, vector<64x1xi32>,
    return
  }
}

</mosaic_0001>

<sc_bundles>
// kernel: kernel.5.cloned.1.call-start
scs
__scs_entry_jumppad:
0x0: {  	(pc) =	sbr.rel $0x88, $3  }
0x1: {  	(tag) =	ssettag $0x0;
	lr =	simm.s32 $0x1  }
0x2: {  	[smem:$0x3F98] =	sst lr;
	_ =	strace $0xD0000000  }
0x3: {  	_ = 	snop  }
0x4: {  	_ = 	snop  }
0x5: {  	_ = 	snop  }
0x6: {  	_ = 	snop  }
0x7: {  	_ = 	snop  }
__scs_overlays_trampoline_lowered:
0x8: {  	[smem:$0x3FA7] =	sst s0  }
0x9: {  	[smem:$0x3FA8] =	sst s1  }
0xa: {  	[smem:$0x3FA9] =	sst s2  }
0xb: {  	[smem:$0x3FAA] =	sst s3  }
0xc: {  	[smem:$0x3FAB] =	sst s4  }
0xd: {  	[smem:$0x3FAC] =	sst s5  }
0xe: {  	[smem:$0x3FAD] =	sst s6  }
0xf: {  	[smem:$0x3FAE] =	sst s7  }
0x10: {  	[smem:$0x3FAF] =	sst s8  }
0x11: {  	[smem:$0x3FB0] =	sst s9;
	s0 =	simm.s32 @!p0 $0x0  }
0x12: {  	s1 =	sld [smem:$0x3F96];
	s0 =	simm.s32 @p0 $0x1  }
0x13: {  	[smem:$0x3FB1] =	sst s0;
	s0 =	simm.s32 @!p1 $0x0  }
0x14: {  	s2 =	sld [smem:$0x3F95];
	s0 =	simm.s32 @p1 $0x1  }
0x15: {  	[smem:$0x3FB2] =	sst s0;
	s0 =	simm.s32 @!p2 $0x0  }
0x16: {  	s3 =	sld [smem:$0x3FDB];
	s0 =	simm.s32 @p2 $0x1  }
0x17: {  	s4 =	simm.s32 $0x1BF5;
	[smem:$0x3FB4] =	sst s0  }
0x18: {  	s0 =	sld [smem:$0x3F97];
	_ =	swait.ge [sflag:s4], $0x0  }
0x19: {  	s7 =	sld [smem:$0x3F98]  }
0x1a: {  	s8 =	sadd.s32 $0xFFFFE003, lr  }
0x1b: {  	s9 =	sadd.s32 $0xFFFFFEF7, lr;
	s5 =	simm.s32 $0xFFFFFFFF;
	p2 =	slt.u32 s8, $0xFFFFF086  }
0x1c: {  	p1 =	slt.u32 s9, $0xF7A;
	s5 =	simm.s32 @!p2 $0x0  }
0x1d: {  	s5 =	simm.s32 @p1 $0x1;
	p0 =	seq.s32 s7, s2  }
0x1e: {  	s7 =	smul.u32 @!p0 $0xF7A, s2;
	p2 =	seq.s32 @!p0 s5, $0x0  }
0x1f: {  	s9 =	smul.u32 $0xF7A, s1;
	s8 =	simm.s32 @!p0 $0x1BF5;
	p2 =	por !p2, p0  }
0x20: {  	[sflag:s8] =	ssyncset.s32 @!p0 $0xFFFFF086;
	s6 =	sadd.s32 @!p0 s3, s7;
	s7 =	simm.s32 @!p0 $0x108  }
0x21: {  	s3 =	sadd.s32 s3, s9;
	s6 =	sadd.s32 @!p0 $0x88, s6;
	s7 =	simm.s32 @p2 $0x1082  }
0x22: {  	[simem:s7], [sflag:s8] =	dma.local @!p0 [hbm:s6], $0xF7A  }
0x23: {  	s9 =	sor.u32 $0xD0000000, s2;
	s6 =	simm.s32 $0x108;
	_ =	swait.ge @!p0 [sflag:s8], $0x0  }
0x24: {  	s3 =	sadd.s32 $0x88, s3;
	s6 =	simm.s32 @!p1 $0x1082;
	[sflag:s4] =	ssyncset.s32 $0xFFFFF086  }
0x25: {  	[simem:s6], [sflag:s4] =	dma.local [hbm:s3], $0xF7A  }
0x26: {  	[smem:$0x3F98] =	sst s1;
	(tag) =	ssettag s2;
	_ =	strace s9  }
0x27: {  	s1 =	sld [smem:$0x3FA8]  }
0x28: {  	s2 =	sld [smem:$0x3FA9]  }
0x29: {  	s4 =	sld [smem:$0x3FAB]  }
0x2a: {  	p0 =	seq.s32 s5, $0x0;
	s5 =	sld [smem:$0x3FAC]  }
0x2b: {  	s6 =	sld [smem:$0x3FAD]  }
0x2c: {  	s7 =	sld [smem:$0x3FAE]  }
0x2d: {  	s3 =	simm.s32 $0x108;
	s8 =	sld [smem:$0x3FAF]  }
0x2e: {  	s3 =	simm.s32 @!p0 $0x1082;
	s9 =	sld [smem:$0x3FB0]  }
0x2f: {  	lr =	sadd.s32 s0, s3;
	s0 =	sld [smem:$0x3FA7]  }
0x30: {  	s3 =	sld [smem:$0x3FAA]  }
0x31: {  	[smem:$0x3FB3] =	sst s10  }
0x32: {  	s10 =	sld [smem:$0x3FB1];
	_ =	sdelay $0x3  }
0x33: {  	p0 =	seq.s32 s10, $0x1;
	s10 =	sld [smem:$0x3FB3];
	_ =	sdelay $0x3  }
0x34: {  	[smem:$0x3FB3] =	sst s10  }
0x35: {  	s10 =	sld [smem:$0x3FB2];
	_ =	sdelay $0x3  }
0x36: {  	p1 =	seq.s32 s10, $0x1;
	s10 =	sld [smem:$0x3FB3];
	_ =	sdelay $0x3  }
0x37: {  	[smem:$0x3FB3] =	sst s10  }
0x38: {  	s10 =	sld [smem:$0x3FB4]  }
0x39: {  	_ = 	snop;
	(pc) =	sbr.ind lr, $3  }
0x3a: {  	_ = 	snop  }
0x3b: {  	_ = 	snop  }
0x3c: {  	p2 =	seq.s32 s10, $0x1;
	s10 =	sld [smem:$0x3FB3]  }
0x3d: {  	_ =	shalt  }
0x3e: {  	_ =	shalt  }
0x3f: {  	_ =	shalt  }
0x40: {  	_ =	shalt  }
0x41: {  	_ =	shalt  }
0x42: {  	_ =	shalt  }
0x43: {  	_ =	shalt  }
0x44: {  	_ =	shalt  }
0x45: {  	_ =	shalt  }
0x46: {  	_ =	shalt  }
0x47: {  	_ =	shalt  }
0x48: {  	_ =	shalt  }
0x49: {  	_ =	shalt  }
0x4a: {  	_ =	shalt  }
0x4b: {  	_ =	shalt  }
0x4c: {  	_ =	shalt  }
0x4d: {  	_ =	shalt  }
0x4e: {  	_ =	shalt  }
0x4f: {  	_ =	shalt  }
0x50: {  	_ =	shalt  }
0x51: {  	_ =	shalt  }
0x52: {  	_ =	shalt  }
0x53: {  	_ =	shalt  }
0x54: {  	_ =	shalt  }
0x55: {  	_ =	shalt  }
0x56: {  	_ =	shalt  }
0x57: {  	_ =	shalt  }
0x58: {  	_ =	shalt  }
0x59: {  	_ =	shalt  }
0x5a: {  	_ =	shalt  }
0x5b: {  	_ =	shalt  }
0x5c: {  	_ =	shalt  }
0x5d: {  	_ =	shalt  }
0x5e: {  	_ =	shalt  }
0x5f: {  	_ =	shalt  }
0x60: {  	_ =	shalt  }
0x61: {  	_ =	shalt  }
0x62: {  	_ =	shalt  }
0x63: {  	_ =	shalt  }
0x64: {  	_ =	shalt  }
0x65: {  	_ =	shalt  }
0x66: {  	_ =	shalt  }
0x67: {  	_ =	shalt  }
0x68: {  	_ =	shalt  }
0x69: {  	_ =	shalt  }
0x6a: {  	_ =	shalt  }
0x6b: {  	_ =	shalt  }
0x6c: {  	_ =	shalt  }
0x6d: {  	_ =	shalt  }
0x6e: {  	_ =	shalt  }
0x6f: {  	_ =	shalt  }
0x70: {  	_ =	shalt  }
0x71: {  	_ =	shalt  }
0x72: {  	_ =	shalt  }
0x73: {  	_ =	shalt  }
0x74: {  	_ =	shalt  }
0x75: {  	_ =	shalt  }
0x76: {  	_ =	shalt  }
0x77: {  	_ =	shalt  }
0x78: {  	_ =	shalt  }
0x79: {  	_ =	shalt  }
0x7a: {  	_ =	shalt  }
0x7b: {  	_ =	shalt  }
0x7c: {  	_ =	shalt  }
0x7d: {  	_ =	shalt  }
0x7e: {  	_ =	shalt  }
0x7f: {  	_ =	shalt  }
0x80: {  	_ =	shalt  }
0x81: {  	_ =	shalt  }
0x82: {  	_ =	shalt  }
0x83: {  	_ =	shalt  }
0x84: {  	_ =	shalt  }
0x85: {  	_ =	shalt  }
0x86: {  	_ =	shalt  }
0x87: {  	_ =	shalt  }
.Lfunc_end0:
.L_simem_size_0:
called_computation_lowered:
.L_overlay_start_0:
0x88: {  	s2 =	sld [smem:$0x3FD9]  }
0x89: {  	s3 =	sld [smem:$0x3FFE];
	_ =	sdelay $0x1  }
0x8a: {  	s1 =	srdreg.scid  }
0x8b: {  	s0 =	sand.u32 $0x1, s1  }
0x8c: {  	s14 =	sshll.u32 s0, $0xA;
	s2 =	sadd.s32 s3, s2  }
0x8d: {  	s2 =	sadd.s32 s2, s14  }
0x8e: {  	[smem:$0x3FBF] =	sst s2  }
0x8f: {  	_ = 	snop  }
0x90: {  	s2 =	sld [smem:$0x3FD0];
	_ =	sdelay $0x2  }
0x91: {  	s4 =	simm.s32 $0xA;
	s5 =	simm.s32 $0x10;
	s15 =	sld [smem:$0x3FC9]  }
0x92: {  	[smem:s5], [sflag:s4] =	dma.local [hbm:s2], $0x1  }
0x93: {  	_ =	swait.eq [sflag:s4], $0x1  }
0x94: {  	[sflag:s4] =	ssyncset.done $0x0  }
0x95: {  	s16 =	sld [smem:$0x10];
	[sflag:s4] =	ssyncadd.s32 $0xFFFFFFFF  }
0x96: {  	s17 =	sld [smem:$0x11];
	(tm) =	ssettm $0x1  }
0x97: {  	s18 =	sld [smem:$0x3FFB];
	_ =	sdelay $0x3  }
0x98: {  	_ =	strace s18  }
0x99: {  	s5 =	sld [smem:$0x3FFC];
	_ =	sdelay $0x3  }
0x9a: {  	_ =	strace s5  }
0x9b: {  	s5 =	sld [smem:$0x3FFD];
	_ =	sdelay $0x3  }
0x9c: {  	_ =	strace s5  }
0x9d: {  	_ =	strace $0x8FFFFFFF  }
0x9e: {  	s19 =	sld [smem:$0x3FDB];
	_ =	sdelay $0x1  }
0x9f: {  	s6 =	simm.s32 $_scs_section_size  }
0xa0: {  	s7 =	simm.s32 $_size__tile_overlayer_lowered;
	s8 =	simm.s32 $_tile_overlayer_lowered  }
0xa1: {  	s22 =	simm.s32 $0x1BFF;
	s21 =	sshll.u32 s8, $0x1;
	s5 =	sadd.s32 s6, s19  }
0xa2: {  	s9 =	simm.s32 $0x0;
	s20 =	sshll.u32 s7, $0x1;
	s7 =	sadd.s32 s21, s5  }
0xa3: {  	[timem:s9], [sflag:s22] =	dma.local [hbm:s7], s20  }
0xa4: {  	_ =	swait.ge [sflag:s22], s20  }
0xa5: {  	s6 =	ssub.s32 $0x0, s20;
	[sflag:s22] =	ssyncset.done $0x0  }
0xa6: {  	[sflag:s22] =	ssyncadd.s32 s6;
	_ =	sdelay $0x1  }
0xa7: {  	s23 =	simm.s32 $0x1B8B  }
0xa8: {  	_ =	swait.ge [sflag:s23], $0x1  }
0xa9: {  	[sflag:s23] =	ssyncset.done $0x0  }
0xaa: {  	s25 =	simm.s32 $0x1B8E;
	s24 =	sld [smem:$0x3FFE];
	[sflag:s23] =	ssyncadd.s32 $0xFFFFFFFF  }
0xab: {  	s26 =	simm.s32 $execute0_lowered;
	[smem:$0x3FD2] =	sst s25  }
0xac: {  	s7 =	sshll.u32 s26, $0x1;
	_ =	strace $0x80000046;
	[dreg:$0x1] =	wrdreg $0xFFFFFFFF  }
0xad: {  	s28 =	simm.s32 $_size_execute0_lowered;
	s5 =	sadd.s32 s5, s7;
	[dreg:$0x0] =	wrdreg $0x0  }
0xae: {  	s7 =	sshll.u32 s28, $0x1;
	[dreg:$0x2] =	wrdreg s5  }
0xaf: {  	[dreg:$0x3] =	wrdreg s7  }
0xb0: {  	[dreg:$0x4] =	wrdreg $0xC0  }
0xb1: {  	_ =	task [dreg:s9], $0x5FFFF  }
0xb2: {  	[dreg:$0x1] =	wrdreg $0xFFFFFFFF  }
0xb3: {  	[dreg:$0x0] =	wrdreg $0x60  }
0xb4: {  	[dreg:$0x2] =	wrdreg s15  }
0xb5: {  	[dreg:$0x3] =	wrdreg s24  }
0xb6: {  	[dreg:$0x4] =	wrdreg s16  }
0xb7: {  	[dreg:$0x5] =	wrdreg s17  }
0xb8: {  	[dreg:$0x6] =	wrdreg $0x9  }
0xb9: {  	_ =	task.clear_ibuf [dreg:s9], $0x7FFFF;
	_ =	strace $0x90000046  }
0xba: {  	s29 =	simm.s32 $0x9;
	_ =	strace $0x80000048  }
0xbb: {  	_ =	swait.ge [sflag:s29], $0x1  }
0xbc: {  	[sflag:s29] =	ssyncadd.s32 $0xFFFFFFFF  }
0xbd: {  	_ =	strace $0x90000048  }
0xbe: {  	_ =	sfence  }
0xbf: {  	s30 =	sld [smem:$0x0];
	_ =	sdelay $0x2  }
0xc0: {  	s31 =	sshll.u32 s1, $0xD;
	s1 =	sshrl.u32 s1, $0x2  }
0xc1: {  	s3 =	sand.u32 $0x4000, s31;
	s1 =	sadd.s32 s1, s30  }
0xc2: {  	s0 =	sor.u32 s3, s0;
	s1 =	sshll.u32 s1, $0x11  }
0xc3: {  	s0 =	sor.u32 s1, s0  }
0xc4: {  	s0 =	sadd.s32 $0x8F2B, s0  }
0xc5: {  	[sflag:s0] =	ssyncadd.remote.s32 $0x1  }
0xc6: {  	_ =	sfence.sel $0xFFFF  }
0xc7: {  	[dreg:$0x0] =	wrdreg $0xFFFFFFFF;
	(pc) =	sbr.abs _section_cstart, $3  }
0xc8: {  	[dreg:$0x1] =	wrdreg $0xFFFFFFFF  }
0xc9: {  	_ =	task.clear_ibuf [dreg:s9], $0x2FFFF;
	_ =	strace $0x9FFFFFFF  }
0xca: {  	(tm) =	ssettm $0x7FFFFFFF  }
0xcb: {  	_ =	shalt  }
tec
execute0_lowered:
.L_overlay_start_1:
0x0: {  	(tag) =	ssettag $0x1  }
0x1: {  	s0 =	rddreg [dreg:$0x0]  }
0x2: {  	s2 =	rddreg [dreg:$0x1]  }
0x3: {  	s11 =	rddreg [dreg:$0x2]  }
0x4: {  	s12 =	rddreg [dreg:$0x3];
	s1 =	simm.s32 $0x0;
	s6 =	srdreg.scid  }
0x5: {  	s9 =	stileid.u32;
	s18 =	simm.s32 $0x80;
	s19 =	simm.s32 $0x400  }
0x6: {  	s20 =	simm.s32 $0x800;
	s21 =	simm.s32 $0x1;
	s22 =	simm.s32 $0x2  }
0x7: {  	s28 =	simm.s32 $0x4200;
	s29 =	simm.s32 $0x3;
	s30 =	simm.s32 $0x0  }
0x8: {  	[smem:$0x7FF] =	sst s1;
	s3 =	sadd.s32 $0xA00, s2;
	s4 =	sadd.s32 $0xC00, s2  }
0x9: {  	s5 =	sadd.s32 $0xE00, s2;
	s2 =	sadd.s32 $0x1200, s2;
	s6 =	sand.u32 $0x1, s6  }
0xa: {  	s7 =	sshll.u32 s9, $0x9;
	s9 =	sshrl.u32 s9, $0x1;
	_ =	strace $0x80000047  }
0xb: {  	s8 =	sshll.u32 s6, $0x8;
	s7 =	sand.u32 $0x200, s7;
	s6 =	ssub.s32 $0x2, s6  }
0xc: {  	s23 =	sshll.u32 s9, $0xE;
	s17 =	sshll.u32 s9, $0xF;
	s10 =	sor.u32 s8, s7  }
0xd: {  	s24 =	sshrl.u32 s6, $0x1;
	s13 =	sor.u32 s23, s10;
	s14 =	sor.u32 $0x80, s10  }
0xe: {  	s15 =	ssub.s32 s6, s24;
	s25 =	sor.u32 s17, s10;
	s24 =	simm.s32 $0x2200  }
0xf: {  	s13 =	sshrl.u32 s13, $0x3;
	s7 =	sor.u32 s23, s14;
	s26 =	sor.u32 s17, s14  }
0x10: {  	s14 =	smax.u32 s15, $0x1;
	s15 =	simm.s32 $0x1000;
	s17 =	simm.s32 $0x3200  }
0x11: {  	s23 =	simm.s32 $0x1200;
	s6 =	sadd.s32 s0, s13;
	s16 =	sshrl.u32 s7, $0x3  }
0x12: {  	v0 =	vlaneseq.u32;
	s8 =	sadd.s32 s11, s13;
	s9 =	sadd.s32 s12, s13;
	s31 =	sshrl.u32 s26, $0x3  }
0x13: {  	v0 =	vmul.u32 $0x100, v0;
	s26 =	simm.s32 $0x2A00;
	s7 =	sadd.s32 s0, s16;
	s0 =	sshrl.u32 s25, $0x3  }
0x14: {  	s11 =	sadd.s32 s11, s16;
	s12 =	sadd.s32 s12, s16;
	s13 =	sadd.s32 s2, s31  }
0x15: {  	v1 =	vimm.f32 $1.000000000e+00;
	v2 =	vor.u32 $0x1000, v0;
	s16 =	simm.s32 $0x1100;
	s25 =	simm.s32 $0x1A00;
	s10 =	sadd.s32 s2, s0  }
.LBB2_1:
0x16: {  	[tilespmem:s15], [sflag:$0x1] =	stream.linear.gather [hbm4b:s3+s1], $0x100, $0x38;
	[tilespmem:$0x5200] =	vst v63  }
0x17: {  	_ = 	snop  }
0x18: {  	[tilespmem:s16], [sflag:$0x1] =	stream.linear.gather [hbm4b:s4+s1], $0x100, $0x38;
	[tilespmem:$0x5200] =	vst v63  }
0x19: {  	_ = 	snop  }
0x1a: {  	[tilespmem:s17], [sflag:$0x1] =	stream.linear.gather [hbm4b:s5+s1], $0x2000, $0x38;
	[tilespmem:$0x5200] =	vst v63  }
0x1b: {  	_ = 	snop  }
0x1c: {  	[tilespmem:s1], [sflag:$0x2] =	stream.strided.gather [hbm4b:s6+s18], $0x800, s19, s18, $0x38;
	[tilespmem:$0x5200] =	vst v63  }
0x1d: {  	_ = 	snop  }
0x1e: {  	[tilespmem:s20], [sflag:$0x2] =	stream.strided.gather [hbm4b:s7+s18], $0x800, s19, s18, $0x38;
	[tilespmem:$0x5200] =	vst v63  }
0x1f: {  	_ =	swait.ge [sflag:s21], $0x100  }
0x20: {  	[sflag:s21] =	ssyncset.done $0x0  }
0x21: {  	[sflag:s21] =	ssyncadd.s32 $0xFFFFFF00  }
0x22: {  	_ =	swait.ge [sflag:s21], $0x100  }
0x23: {  	[sflag:s21] =	ssyncset.done $0x0  }
0x24: {  	[sflag:s21] =	ssyncadd.s32 $0xFFFFFF00  }
0x25: {  	_ =	swait.ge [sflag:s21], $0x2000  }
0x26: {  	[sflag:s21] =	ssyncset.done $0x0  }
0x27: {  	[sflag:s21] =	ssyncadd.s32 $0xFFFFE000  }
0x28: {  	_ =	swait.ge [sflag:s22], $0x800  }
0x29: {  	[sflag:s22] =	ssyncset.done $0x0  }
0x2a: {  	[sflag:s22] =	ssyncadd.s32 $0xFFFFF800  }
0x2b: {  	_ =	swait.ge [sflag:s22], $0x800  }
0x2c: {  	[sflag:s22] =	ssyncset.done $0x0  }
0x2d: {  	s0 =	simm.s32 $0x0;
	[sflag:s22] =	ssyncadd.s32 $0xFFFFF800  }
.LBB2_2:
0x2e: {  	s31 =	sshra.s32 s0, $0x2  }
0x2f: {  	v3 =	vld [tilespmem:s31+$0x0]  }
0x30: {  	v4 =	vld [tilespmem:s31+$0x10]  }
0x31: {  	v5 =	vld [tilespmem:s31+$0x20]  }
0x32: {  	v6 =	vld [tilespmem:s31+$0x30]  }
0x33: {  	v7 =	vld [tilespmem:s31+$0x40]  }
0x34: {  	v8 =	vld [tilespmem:s31+$0x50]  }
0x35: {  	v9 =	vld [tilespmem:s31+$0x60]  }
0x36: {  	v10 =	vld [tilespmem:s31+$0x70]  }
0x37: {  	v11 =	vld [tilespmem:s31+$0x80]  }
0x38: {  	v12 =	vld [tilespmem:s31+$0x90]  }
0x39: {  	v13 =	vld [tilespmem:s31+$0xA0]  }
0x3a: {  	v14 =	vld [tilespmem:s31+$0xB0]  }
0x3b: {  	v15 =	vld [tilespmem:s31+$0xC0]  }
0x3c: {  	v16 =	vld [tilespmem:s31+$0xD0]  }
0x3d: {  	v17 =	vld [tilespmem:s31+$0xE0]  }
0x3e: {  	v18 =	vld [tilespmem:s31+$0xF0]  }
0x3f: {  	v19 =	vld.idx.msk [tilespmem:v3+s15+$0x0], $0xffff  }
0x40: {  	v20 =	vld.idx.msk [tilespmem:v4+s15+$0x0], $0xffff  }
0x41: {  	v21 =	vld.idx.msk [tilespmem:v5+s15+$0x0], $0xffff  }
0x42: {  	v22 =	vld.idx.msk [tilespmem:v6+s15+$0x0], $0xffff  }
0x43: {  	v23 =	vld.idx.msk [tilespmem:v7+s15+$0x0], $0xffff  }
0x44: {  	v24 =	vld.idx.msk [tilespmem:v8+s15+$0x0], $0xffff  }
0x45: {  	v25 =	vld.idx.msk [tilespmem:v9+s15+$0x0], $0xffff  }
0x46: {  	v26 =	vld.idx.msk [tilespmem:v10+s15+$0x0], $0xffff  }
0x47: {  	v27 =	vld.idx.msk [tilespmem:v11+s15+$0x0], $0xffff  }
0x48: {  	v28 =	vld.idx.msk [tilespmem:v12+s15+$0x0], $0xffff  }
0x49: {  	v29 =	vld.idx.msk [tilespmem:v13+s15+$0x0], $0xffff  }
0x4a: {  	v30 =	vld.idx.msk [tilespmem:v14+s15+$0x0], $0xffff  }
0x4b: {  	v31 =	vld.idx.msk [tilespmem:v15+s15+$0x0], $0xffff  }
0x4c: {  	v32 =	vld.idx.msk [tilespmem:v16+s15+$0x0], $0xffff  }
0x4d: {  	v33 =	vld.idx.msk [tilespmem:v17+s15+$0x0], $0xffff  }
0x4e: {  	v34 =	vld.idx.msk [tilespmem:v18+s15+$0x0], $0xffff;
	[tilespmem:s31+$0x1200] =	vst v19  }
0x4f: {  	[tilespmem:s31+$0x1210] =	vst v20  }
0x50: {  	[tilespmem:s31+$0x1220] =	vst v21  }
0x51: {  	[tilespmem:s31+$0x1230] =	vst v22  }
0x52: {  	[tilespmem:s31+$0x1240] =	vst v23  }
0x53: {  	[tilespmem:s31+$0x1250] =	vst v24  }
0x54: {  	[tilespmem:s31+$0x1260] =	vst v25  }
0x55: {  	[tilespmem:s31+$0x1270] =	vst v26  }
0x56: {  	[tilespmem:s31+$0x1280] =	vst v27  }
0x57: {  	[tilespmem:s31+$0x1290] =	vst v28  }
0x58: {  	[tilespmem:s31+$0x12A0] =	vst v29  }
0x59: {  	v3 =	vadd.s32 $0x100, v3;
	[tilespmem:s31+$0x12B0] =	vst v30  }
0x5a: {  	v4 =	vadd.s32 $0x100, v4;
	[tilespmem:s31+$0x12C0] =	vst v31  }
0x5b: {  	v5 =	vadd.s32 $0x100, v5;
	[tilespmem:s31+$0x12D0] =	vst v32  }
0x5c: {  	v6 =	vadd.s32 $0x100, v6;
	[tilespmem:s31+$0x12E0] =	vst v33  }
0x5d: {  	v7 =	vadd.s32 $0x100, v7;
	[tilespmem:s31+$0x12F0] =	vst v34  }
0x5e: {  	v8 =	vadd.s32 $0x100, v8;
	v3 =	vld.idx.msk [tilespmem:v3+s15+$0x0], $0xffff  }
0x5f: {  	v9 =	vadd.s32 $0x100, v9;
	v4 =	vld.idx.msk [tilespmem:v4+s15+$0x0], $0xffff  }
0x60: {  	v10 =	vadd.s32 $0x100, v10;
	v5 =	vld.idx.msk [tilespmem:v5+s15+$0x0], $0xffff  }
0x61: {  	v11 =	vadd.s32 $0x100, v11;
	v6 =	vld.idx.msk [tilespmem:v6+s15+$0x0], $0xffff  }
0x62: {  	v12 =	vadd.s32 $0x100, v12;
	v7 =	vld.idx.msk [tilespmem:v7+s15+$0x0], $0xffff  }
0x63: {  	v13 =	vadd.s32 $0x100, v13;
	v8 =	vld.idx.msk [tilespmem:v8+s15+$0x0], $0xffff  }
0x64: {  	v14 =	vadd.s32 $0x100, v14;
	v9 =	vld.idx.msk [tilespmem:v9+s15+$0x0], $0xffff  }
0x65: {  	v15 =	vadd.s32 $0x100, v15;
	v10 =	vld.idx.msk [tilespmem:v10+s15+$0x0], $0xffff  }
0x66: {  	v16 =	vadd.s32 $0x100, v16;
	v11 =	vld.idx.msk [tilespmem:v11+s15+$0x0], $0xffff  }
0x67: {  	v17 =	vadd.s32 $0x100, v17;
	v12 =	vld.idx.msk [tilespmem:v12+s15+$0x0], $0xffff  }
0x68: {  	v18 =	vadd.s32 $0x100, v18;
	v13 =	vld.idx.msk [tilespmem:v13+s15+$0x0], $0xffff  }
0x69: {  	v14 =	vld.idx.msk [tilespmem:v14+s15+$0x0], $0xffff  }
0x6a: {  	v15 =	vld.idx.msk [tilespmem:v15+s15+$0x0], $0xffff  }
0x6b: {  	v16 =	vld.idx.msk [tilespmem:v16+s15+$0x0], $0xffff  }
0x6c: {  	v17 =	vld.idx.msk [tilespmem:v17+s15+$0x0], $0xffff  }
0x6d: {  	v18 =	vld.idx.msk [tilespmem:v18+s15+$0x0], $0xffff;
	[tilespmem:s31+$0x2200] =	vst v3  }
0x6e: {  	[tilespmem:s31+$0x2210] =	vst v4  }
0x6f: {  	[tilespmem:s31+$0x2220] =	vst v5  }
0x70: {  	[tilespmem:s31+$0x2230] =	vst v6  }
0x71: {  	[tilespmem:s31+$0x2240] =	vst v7  }
0x72: {  	[tilespmem:s31+$0x2250] =	vst v8  }
0x73: {  	[tilespmem:s31+$0x2260] =	vst v9  }
0x74: {  	[tilespmem:s31+$0x2270] =	vst v10  }
0x75: {  	[tilespmem:s31+$0x2280] =	vst v11  }
0x76: {  	[tilespmem:s31+$0x2290] =	vst v12  }
0x77: {  	p0 =	sne.s32 s0, $0x1C00;
	[tilespmem:s31+$0x22A0] =	vst v13  }
.Ltmp0:
0x78: {  	[tilespmem:s31+$0x22B0] =	vst v14;
	(pc) =	sbr.rel @p0 .LBB2_2-.Ltmp0, $4  }
0x79: {  	[tilespmem:s31+$0x22C0] =	vst v15  }
0x7a: {  	[tilespmem:s31+$0x22D0] =	vst v16  }
0x7b: {  	[tilespmem:s31+$0x22E0] =	vst v17  }
0x7c: {  	s0 =	sadd.s32 $0x400, s0;
	[tilespmem:s31+$0x22F0] =	vst v18  }
0x7d: {  	s0 =	simm.s32 $0x0  }
0x7e: {  	v3 =	vld [tilespmem:s0+$0x60]  }
0x7f: {  	v4 =	vld [tilespmem:s0+$0x50]  }
0x80: {  	v5 =	vld [tilespmem:s0+$0x40]  }
0x81: {  	v6 =	vld [tilespmem:s0+$0x30]  }
0x82: {  	v7 =	vld [tilespmem:s0+$0x20]  }
0x83: {  	v8 =	vld [tilespmem:s0+$0x10]  }
0x84: {  	v9 =	vld [tilespmem:s0+$0x0]  }
0x85: {  	v10 =	vld [tilespmem:s0+$0x70]  }
0x86: {  	v11 =	vld [tilespmem:s0+$0x80]  }
0x87: {  	v12 =	vld [tilespmem:s0+$0x90]  }
0x88: {  	v13 =	vld [tilespmem:s0+$0xA0]  }
0x89: {  	v14 =	vld [tilespmem:s0+$0xB0];
	v9 =	vadd.s32 v0, v9  }
0x8a: {  	v15 =	vld [tilespmem:s0+$0xC0];
	v8 =	vadd.s32 v0, v8  }
0x8b: {  	v16 =	vld [tilespmem:s0+$0xD0];
	v7 =	vadd.s32 v0, v7  }
0x8c: {  	v17 =	vld [tilespmem:s0+$0xE0];
	v6 =	vadd.s32 v0, v6  }
0x8d: {  	v18 =	vld [tilespmem:s0+$0xF0];
	v5 =	vadd.s32 v0, v5  }
0x8e: {  	v4 =	vadd.s32 v0, v4;
	[tilespmem:v9+s17+$0x0] =	vst.idx.add.f32.msk $0xffff, v1  }
0x8f: {  	v3 =	vadd.s32 v0, v3;
	[tilespmem:v8+s17+$0x0] =	vst.idx.add.f32.msk $0xffff, v1  }
0x90: {  	v59 =	vadd.s32 v0, v10;
	[tilespmem:v7+s17+$0x0] =	vst.idx.add.f32.msk $0xffff, v1  }
0x91: {  	v60 =	vadd.s32 v0, v11;
	[tilespmem:v6+s17+$0x0] =	vst.idx.add.f32.msk $0xffff, v1  }
0x92: {  	v61 =	vadd.s32 v0, v12;
	[tilespmem:v5+s17+$0x0] =	vst.idx.add.f32.msk $0xffff, v1  }
0x93: {  	v5 =	vadd.s32 v0, v13;
	[tilespmem:v4+s17+$0x0] =	vst.idx.add.f32.msk $0xffff, v1  }
0x94: {  	v4 =	vadd.s32 v0, v14;
	[tilespmem:v3+s17+$0x0] =	vst.idx.add.f32.msk $0xffff, v1  }
0x95: {  	v3 =	vadd.s32 v0, v15;
	[tilespmem:v59+s17+$0x0] =	vst.idx.add.f32.msk $0xffff, v1  }
0x96: {  	[tilespmem:v60+s17+$0x0] =	vst.idx.add.f32.msk $0xffff, v1  }
0x97: {  	[tilespmem:v61+s17+$0x0] =	vst.idx.add.f32.msk $0xffff, v1  }
0x98: {  	v62 =	vadd.s32 v0, v16;
	[tilespmem:v5+s17+$0x0] =	vst.idx.add.f32.msk $0xffff, v1  }
0x99: {  	v63 =	vadd.s32 v0, v17;
	[tilespmem:v4+s17+$0x0] =	vst.idx.add.f32.msk $0xffff, v1  }
0x9a: {  	[tilespmem:v3+s17+$0x0] =	vst.idx.add.f32.msk $0xffff, v1;
	v3 =	vadd.s32 v0, v18;
	_ =	sdelay $0x2  }
0x9b: {  	[tilespmem:v62+s17+$0x0] =	vst.idx.add.f32.msk $0xffff, v1  }
0x9c: {  	s0 =	simm.s32 $0x400;
	[tilespmem:v63+s17+$0x0] =	vst.idx.add.f32.msk $0xffff, v1  }
.LBB2_4:
0x9d: {  	s2 =	sshra.s32 s0, $0x2;
	p0 =	sne.s32 s0, $0x1C00;
	s0 =	sadd.s32 $0x400, s0;
	[tilespmem:v3+s17+$0x0] =	vst.idx.add.f32.msk $0xffff, v1  }
0x9e: {  	v3 =	vld [tilespmem:s2+$0x60]  }
0x9f: {  	v4 =	vld [tilespmem:s2+$0x50]  }
0xa0: {  	v5 =	vld [tilespmem:s2+$0x40]  }
0xa1: {  	v6 =	vld [tilespmem:s2+$0x30]  }
0xa2: {  	v7 =	vld [tilespmem:s2+$0x20]  }
0xa3: {  	v8 =	vld [tilespmem:s2+$0x10]  }
0xa4: {  	v9 =	vld [tilespmem:s2+$0x0]  }
0xa5: {  	v10 =	vld [tilespmem:s2+$0x70]  }
0xa6: {  	v6 =	vadd.s32 v0, v6;
	v11 =	vld [tilespmem:s2+$0x80]  }
0xa7: {  	v5 =	vadd.s32 v0, v5;
	v12 =	vld [tilespmem:s2+$0x90]  }
0xa8: {  	v4 =	vadd.s32 v0, v4;
	v13 =	vld [tilespmem:s2+$0xA0]  }
0xa9: {  	v3 =	vadd.s32 v0, v3;
	v8 =	vadd.s32 v0, v8;
	v9 =	vadd.s32 v0, v9;
	v14 =	vld [tilespmem:s2+$0xB0]  }
0xaa: {  	v7 =	vadd.s32 v0, v7;
	v10 =	vadd.s32 v0, v10;
	v15 =	vld [tilespmem:s2+$0xC0]  }
0xab: {  	v11 =	vadd.s32 v0, v11;
	v16 =	vld [tilespmem:s2+$0xD0]  }
0xac: {  	v12 =	vadd.s32 v0, v12;
	v17 =	vld [tilespmem:s2+$0xE0]  }
0xad: {  	v18 =	vld [tilespmem:s2+$0xF0]  }
0xae: {  	[tilespmem:v9+s17+$0x0] =	vst.idx.add.f32.msk $0xffff, v1  }
0xaf: {  	v9 =	vadd.s32 v0, v13;
	[tilespmem:v8+s17+$0x0] =	vst.idx.add.f32.msk $0xffff, v1  }
0xb0: {  	[tilespmem:v7+s17+$0x0] =	vst.idx.add.f32.msk $0xffff, v1  }
0xb1: {  	v7 =	vadd.s32 v0, v14;
	[tilespmem:v6+s17+$0x0] =	vst.idx.add.f32.msk $0xffff, v1  }
0xb2: {  	[tilespmem:v5+s17+$0x0] =	vst.idx.add.f32.msk $0xffff, v1  }
0xb3: {  	v5 =	vadd.s32 v0, v15;
	[tilespmem:v4+s17+$0x0] =	vst.idx.add.f32.msk $0xffff, v1  }
0xb4: {  	[tilespmem:v3+s17+$0x0] =	vst.idx.add.f32.msk $0xffff, v1  }
0xb5: {  	v4 =	vadd.s32 v0, v16;
	[tilespmem:v10+s17+$0x0] =	vst.idx.add.f32.msk $0xffff, v1  }
0xb6: {  	[tilespmem:v11+s17+$0x0] =	vst.idx.add.f32.msk $0xffff, v1  }
0xb7: {  	v6 =	vadd.s32 v0, v17;
	[tilespmem:v12+s17+$0x0] =	vst.idx.add.f32.msk $0xffff, v1  }
.Ltmp1:
0xb8: {  	v3 =	vadd.s32 v0, v18;
	[tilespmem:v9+s17+$0x0] =	vst.idx.add.f32.msk $0xffff, v1;
	(pc) =	sbr.rel @p0 .LBB2_4-.Ltmp1, $4  }
0xb9: {  	[tilespmem:v7+s17+$0x0] =	vst.idx.add.f32.msk $0xffff, v1  }
0xba: {  	[tilespmem:v5+s17+$0x0] =	vst.idx.add.f32.msk $0xffff, v1  }
0xbb: {  	[tilespmem:v4+s17+$0x0] =	vst.idx.add.f32.msk $0xffff, v1  }
0xbc: {  	[tilespmem:v6+s17+$0x0] =	vst.idx.add.f32.msk $0xffff, v1  }
0xbd: {  	_ =	sdelay $0x3  }
0xbe: {  	[tilespmem:v3+s17+$0x0] =	vst.idx.add.f32.msk $0xffff, v1  }
0xbf: {  	[hbm4b:s8+s18] =	stream.strided.scatter [tilespmem:s23], [sflag:$0x3], $0x800, s19, s18, $0x38;
	[tilespmem:$0x5200] =	vst v63  }
0xc0: {  	_ = 	snop  }
0xc1: {  	[hbm4b:s9+s18] =	stream.strided.scatter [tilespmem:s24], [sflag:$0x3], $0x800, s19, s18, $0x38;
	[tilespmem:$0x5200] =	vst v63  }
0xc2: {  	s31 =	simm.s32 $0x0;
	s0 =	simm.s32 $0x0  }
0xc3: {  	[hbm4b:s10+s18] =	stream.strided.scatter [tilespmem:s17], [sflag:$0x3], $0x1000, s19, s18, $0x38;
	[tilespmem:$0x5200] =	vst v63  }
.LBB2_6:
0xc4: {  	s2 =	sshra.s32 s0, $0x2  }
0xc5: {  	v3 =	vld [tilespmem:s2+$0x800]  }
0xc6: {  	v4 =	vld [tilespmem:s2+$0x810]  }
0xc7: {  	v5 =	vld [tilespmem:s2+$0x820]  }
0xc8: {  	v6 =	vld [tilespmem:s2+$0x830]  }
0xc9: {  	v7 =	vld [tilespmem:s2+$0x840]  }
0xca: {  	v8 =	vld [tilespmem:s2+$0x850]  }
0xcb: {  	v9 =	vld [tilespmem:s2+$0x860]  }
0xcc: {  	v10 =	vld [tilespmem:s2+$0x870]  }
0xcd: {  	v11 =	vld [tilespmem:s2+$0x880]  }
0xce: {  	v12 =	vld [tilespmem:s2+$0x890]  }
0xcf: {  	v13 =	vld [tilespmem:s2+$0x8A0]  }
0xd0: {  	v14 =	vld [tilespmem:s2+$0x8B0]  }
0xd1: {  	v15 =	vld [tilespmem:s2+$0x8C0]  }
0xd2: {  	v16 =	vld [tilespmem:s2+$0x8D0]  }
0xd3: {  	v17 =	vld [tilespmem:s2+$0x8E0]  }
0xd4: {  	v18 =	vld [tilespmem:s2+$0x8F0]  }
0xd5: {  	v19 =	vld.idx.msk [tilespmem:v3+s15+$0x0], $0xffff  }
0xd6: {  	v20 =	vld.idx.msk [tilespmem:v4+s15+$0x0], $0xffff  }
0xd7: {  	v21 =	vld.idx.msk [tilespmem:v5+s15+$0x0], $0xffff  }
0xd8: {  	v22 =	vld.idx.msk [tilespmem:v6+s15+$0x0], $0xffff  }
0xd9: {  	v23 =	vld.idx.msk [tilespmem:v7+s15+$0x0], $0xffff  }
0xda: {  	v24 =	vld.idx.msk [tilespmem:v8+s15+$0x0], $0xffff  }
0xdb: {  	v25 =	vld.idx.msk [tilespmem:v9+s15+$0x0], $0xffff  }
0xdc: {  	v26 =	vld.idx.msk [tilespmem:v10+s15+$0x0], $0xffff  }
0xdd: {  	v27 =	vld.idx.msk [tilespmem:v11+s15+$0x0], $0xffff  }
0xde: {  	v28 =	vld.idx.msk [tilespmem:v12+s15+$0x0], $0xffff  }
0xdf: {  	v29 =	vld.idx.msk [tilespmem:v13+s15+$0x0], $0xffff  }
0xe0: {  	v30 =	vld.idx.msk [tilespmem:v14+s15+$0x0], $0xffff  }
0xe1: {  	v31 =	vld.idx.msk [tilespmem:v15+s15+$0x0], $0xffff  }
0xe2: {  	v32 =	vld.idx.msk [tilespmem:v16+s15+$0x0], $0xffff  }
0xe3: {  	v33 =	vld.idx.msk [tilespmem:v17+s15+$0x0], $0xffff  }
0xe4: {  	v34 =	vld.idx.msk [tilespmem:v18+s15+$0x0], $0xffff;
	[tilespmem:s2+$0x1A00] =	vst v19  }
0xe5: {  	[tilespmem:s2+$0x1A10] =	vst v20  }
0xe6: {  	[tilespmem:s2+$0x1A20] =	vst v21  }
0xe7: {  	[tilespmem:s2+$0x1A30] =	vst v22  }
0xe8: {  	[tilespmem:s2+$0x1A40] =	vst v23  }
0xe9: {  	[tilespmem:s2+$0x1A50] =	vst v24  }
0xea: {  	[tilespmem:s2+$0x1A60] =	vst v25  }
0xeb: {  	[tilespmem:s2+$0x1A70] =	vst v26  }
0xec: {  	[tilespmem:s2+$0x1A80] =	vst v27  }
0xed: {  	[tilespmem:s2+$0x1A90] =	vst v28  }
0xee: {  	[tilespmem:s2+$0x1AA0] =	vst v29  }
0xef: {  	v3 =	vadd.s32 $0x100, v3;
	[tilespmem:s2+$0x1AB0] =	vst v30  }
0xf0: {  	v4 =	vadd.s32 $0x100, v4;
	[tilespmem:s2+$0x1AC0] =	vst v31  }
0xf1: {  	v5 =	vadd.s32 $0x100, v5;
	[tilespmem:s2+$0x1AD0] =	vst v32  }
0xf2: {  	v6 =	vadd.s32 $0x100, v6;
	[tilespmem:s2+$0x1AE0] =	vst v33  }
0xf3: {  	v7 =	vadd.s32 $0x100, v7;
	[tilespmem:s2+$0x1AF0] =	vst v34  }
0xf4: {  	v8 =	vadd.s32 $0x100, v8;
	v3 =	vld.idx.msk [tilespmem:v3+s15+$0x0], $0xffff  }
0xf5: {  	v9 =	vadd.s32 $0x100, v9;
	v4 =	vld.idx.msk [tilespmem:v4+s15+$0x0], $0xffff  }
0xf6: {  	v10 =	vadd.s32 $0x100, v10;
	v5 =	vld.idx.msk [tilespmem:v5+s15+$0x0], $0xffff  }
0xf7: {  	v11 =	vadd.s32 $0x100, v11;
	v6 =	vld.idx.msk [tilespmem:v6+s15+$0x0], $0xffff  }
0xf8: {  	v12 =	vadd.s32 $0x100, v12;
	v7 =	vld.idx.msk [tilespmem:v7+s15+$0x0], $0xffff  }
0xf9: {  	v13 =	vadd.s32 $0x100, v13;
	v8 =	vld.idx.msk [tilespmem:v8+s15+$0x0], $0xffff  }
0xfa: {  	v14 =	vadd.s32 $0x100, v14;
	v9 =	vld.idx.msk [tilespmem:v9+s15+$0x0], $0xffff  }
0xfb: {  	v15 =	vadd.s32 $0x100, v15;
	v10 =	vld.idx.msk [tilespmem:v10+s15+$0x0], $0xffff  }
0xfc: {  	v16 =	vadd.s32 $0x100, v16;
	v11 =	vld.idx.msk [tilespmem:v11+s15+$0x0], $0xffff  }
0xfd: {  	v17 =	vadd.s32 $0x100, v17;
	v12 =	vld.idx.msk [tilespmem:v12+s15+$0x0], $0xffff  }
0xfe: {  	v18 =	vadd.s32 $0x100, v18;
	v13 =	vld.idx.msk [tilespmem:v13+s15+$0x0], $0xffff  }
0xff: {  	v14 =	vld.idx.msk [tilespmem:v14+s15+$0x0], $0xffff  }
0x100: {  	v15 =	vld.idx.msk [tilespmem:v15+s15+$0x0], $0xffff  }
0x101: {  	v16 =	vld.idx.msk [tilespmem:v16+s15+$0x0], $0xffff  }
0x102: {  	v17 =	vld.idx.msk [tilespmem:v17+s15+$0x0], $0xffff  }
0x103: {  	v18 =	vld.idx.msk [tilespmem:v18+s15+$0x0], $0xffff;
	[tilespmem:s2+$0x2A00] =	vst v3  }
0x104: {  	[tilespmem:s2+$0x2A10] =	vst v4  }
0x105: {  	[tilespmem:s2+$0x2A20] =	vst v5  }
0x106: {  	[tilespmem:s2+$0x2A30] =	vst v6  }
0x107: {  	[tilespmem:s2+$0x2A40] =	vst v7  }
0x108: {  	[tilespmem:s2+$0x2A50] =	vst v8  }
0x109: {  	[tilespmem:s2+$0x2A60] =	vst v9  }
0x10a: {  	[tilespmem:s2+$0x2A70] =	vst v10  }
0x10b: {  	[tilespmem:s2+$0x2A80] =	vst v11  }
0x10c: {  	[tilespmem:s2+$0x2A90] =	vst v12  }
0x10d: {  	p0 =	sne.s32 s0, $0x1C00;
	[tilespmem:s2+$0x2AA0] =	vst v13  }
.Ltmp2:
0x10e: {  	[tilespmem:s2+$0x2AB0] =	vst v14;
	(pc) =	sbr.rel @p0 .LBB2_6-.Ltmp2, $4  }
0x10f: {  	[tilespmem:s2+$0x2AC0] =	vst v15  }
0x110: {  	[tilespmem:s2+$0x2AD0] =	vst v16  }
0x111: {  	[tilespmem:s2+$0x2AE0] =	vst v17  }
0x112: {  	s0 =	sadd.s32 $0x400, s0;
	[tilespmem:s2+$0x2AF0] =	vst v18  }
0x113: {  	s0 =	sshra.s32 s31, $0x2  }
0x114: {  	v3 =	vld [tilespmem:s0+$0x860]  }
0x115: {  	v4 =	vld [tilespmem:s0+$0x850]  }
0x116: {  	v5 =	vld [tilespmem:s0+$0x840]  }
0x117: {  	v6 =	vld [tilespmem:s0+$0x830]  }
0x118: {  	v7 =	vld [tilespmem:s0+$0x820]  }
0x119: {  	v8 =	vld [tilespmem:s0+$0x810]  }
0x11a: {  	v9 =	vld [tilespmem:s0+$0x800]  }
0x11b: {  	v10 =	vld [tilespmem:s0+$0x870]  }
0x11c: {  	v11 =	vld [tilespmem:s0+$0x880]  }
0x11d: {  	v12 =	vld [tilespmem:s0+$0x890]  }
0x11e: {  	v13 =	vld [tilespmem:s0+$0x8A0]  }
0x11f: {  	v14 =	vld [tilespmem:s0+$0x8B0];
	v9 =	vadd.s32 v2, v9  }
0x120: {  	v15 =	vld [tilespmem:s0+$0x8C0];
	v8 =	vadd.s32 v2, v8  }
0x121: {  	v16 =	vld [tilespmem:s0+$0x8D0];
	v7 =	vadd.s32 v2, v7  }
0x122: {  	v17 =	vld [tilespmem:s0+$0x8E0];
	v6 =	vadd.s32 v2, v6  }
0x123: {  	v18 =	vld [tilespmem:s0+$0x8F0];
	v5 =	vadd.s32 v2, v5  }
0x124: {  	v4 =	vadd.s32 v2, v4;
	[tilespmem:v9+s17+$0x0] =	vst.idx.add.f32.msk $0xffff, v1  }
0x125: {  	v3 =	vadd.s32 v2, v3;
	[tilespmem:v8+s17+$0x0] =	vst.idx.add.f32.msk $0xffff, v1  }
0x126: {  	v59 =	vadd.s32 v2, v10;
	[tilespmem:v7+s17+$0x0] =	vst.idx.add.f32.msk $0xffff, v1  }
0x127: {  	v60 =	vadd.s32 v2, v11;
	[tilespmem:v6+s17+$0x0] =	vst.idx.add.f32.msk $0xffff, v1  }
0x128: {  	v61 =	vadd.s32 v2, v12;
	[tilespmem:v5+s17+$0x0] =	vst.idx.add.f32.msk $0xffff, v1  }
0x129: {  	v5 =	vadd.s32 v2, v13;
	[tilespmem:v4+s17+$0x0] =	vst.idx.add.f32.msk $0xffff, v1  }
0x12a: {  	v4 =	vadd.s32 v2, v14;
	[tilespmem:v3+s17+$0x0] =	vst.idx.add.f32.msk $0xffff, v1  }
0x12b: {  	v3 =	vadd.s32 v2, v15;
	[tilespmem:v59+s17+$0x0] =	vst.idx.add.f32.msk $0xffff, v1  }
0x12c: {  	[tilespmem:v60+s17+$0x0] =	vst.idx.add.f32.msk $0xffff, v1  }
0x12d: {  	[tilespmem:v61+s17+$0x0] =	vst.idx.add.f32.msk $0xffff, v1  }
0x12e: {  	v62 =	vadd.s32 v2, v16;
	[tilespmem:v5+s17+$0x0] =	vst.idx.add.f32.msk $0xffff, v1  }
0x12f: {  	v63 =	vadd.s32 v2, v17;
	[tilespmem:v4+s17+$0x0] =	vst.idx.add.f32.msk $0xffff, v1  }
0x130: {  	[tilespmem:v3+s17+$0x0] =	vst.idx.add.f32.msk $0xffff, v1;
	v3 =	vadd.s32 v2, v18;
	_ =	sdelay $0x2  }
0x131: {  	[tilespmem:v62+s17+$0x0] =	vst.idx.add.f32.msk $0xffff, v1  }
0x132: {  	s0 =	sadd.s32 $0x400, s31;
	[tilespmem:v63+s17+$0x0] =	vst.idx.add.f32.msk $0xffff, v1  }
.LBB2_8:
0x133: {  	s2 =	sshra.s32 s0, $0x2;
	p0 =	sne.s32 s0, $0x1C00;
	s0 =	sadd.s32 $0x400, s0;
	[tilespmem:v3+s17+$0x0] =	vst.idx.add.f32.msk $0xffff, v1  }
0x134: {  	v3 =	vld [tilespmem:s2+$0x860]  }
0x135: {  	v4 =	vld [tilespmem:s2+$0x850]  }
0x136: {  	v5 =	vld [tilespmem:s2+$0x840]  }
0x137: {  	v6 =	vld [tilespmem:s2+$0x830]  }
0x138: {  	v7 =	vld [tilespmem:s2+$0x820]  }
0x139: {  	v8 =	vld [tilespmem:s2+$0x810]  }
0x13a: {  	v9 =	vld [tilespmem:s2+$0x800]  }
0x13b: {  	v10 =	vld [tilespmem:s2+$0x870]  }
0x13c: {  	v6 =	vadd.s32 v2, v6;
	v11 =	vld [tilespmem:s2+$0x880]  }
0x13d: {  	v5 =	vadd.s32 v2, v5;
	v12 =	vld [tilespmem:s2+$0x890]  }
0x13e: {  	v4 =	vadd.s32 v2, v4;
	v13 =	vld [tilespmem:s2+$0x8A0]  }
0x13f: {  	v3 =	vadd.s32 v2, v3;
	v8 =	vadd.s32 v2, v8;
	v9 =	vadd.s32 v2, v9;
	v14 =	vld [tilespmem:s2+$0x8B0]  }
0x140: {  	v7 =	vadd.s32 v2, v7;
	v10 =	vadd.s32 v2, v10;
	v15 =	vld [tilespmem:s2+$0x8C0]  }
0x141: {  	v11 =	vadd.s32 v2, v11;
	v16 =	vld [tilespmem:s2+$0x8D0]  }
0x142: {  	v12 =	vadd.s32 v2, v12;
	v17 =	vld [tilespmem:s2+$0x8E0]  }
0x143: {  	v18 =	vld [tilespmem:s2+$0x8F0]  }
0x144: {  	[tilespmem:v9+s17+$0x0] =	vst.idx.add.f32.msk $0xffff, v1  }
0x145: {  	v9 =	vadd.s32 v2, v13;
	[tilespmem:v8+s17+$0x0] =	vst.idx.add.f32.msk $0xffff, v1  }
0x146: {  	[tilespmem:v7+s17+$0x0] =	vst.idx.add.f32.msk $0xffff, v1  }
0x147: {  	v7 =	vadd.s32 v2, v14;
	[tilespmem:v6+s17+$0x0] =	vst.idx.add.f32.msk $0xffff, v1  }
0x148: {  	[tilespmem:v5+s17+$0x0] =	vst.idx.add.f32.msk $0xffff, v1  }
0x149: {  	v5 =	vadd.s32 v2, v15;
	[tilespmem:v4+s17+$0x0] =	vst.idx.add.f32.msk $0xffff, v1  }
0x14a: {  	[tilespmem:v3+s17+$0x0] =	vst.idx.add.f32.msk $0xffff, v1  }
0x14b: {  	v4 =	vadd.s32 v2, v16;
	[tilespmem:v10+s17+$0x0] =	vst.idx.add.f32.msk $0xffff, v1  }
0x14c: {  	[tilespmem:v11+s17+$0x0] =	vst.idx.add.f32.msk $0xffff, v1  }
0x14d: {  	v6 =	vadd.s32 v2, v17;
	[tilespmem:v12+s17+$0x0] =	vst.idx.add.f32.msk $0xffff, v1  }
.Ltmp3:
0x14e: {  	v3 =	vadd.s32 v2, v18;
	[tilespmem:v9+s17+$0x0] =	vst.idx.add.f32.msk $0xffff, v1;
	(pc) =	sbr.rel @p0 .LBB2_8-.Ltmp3, $4  }
0x14f: {  	[tilespmem:v7+s17+$0x0] =	vst.idx.add.f32.msk $0xffff, v1  }
0x150: {  	[tilespmem:v5+s17+$0x0] =	vst.idx.add.f32.msk $0xffff, v1  }
0x151: {  	[tilespmem:v4+s17+$0x0] =	vst.idx.add.f32.msk $0xffff, v1  }
0x152: {  	[tilespmem:v6+s17+$0x0] =	vst.idx.add.f32.msk $0xffff, v1  }
0x153: {  	_ =	sdelay $0x3  }
0x154: {  	[tilespmem:v3+s17+$0x0] =	vst.idx.add.f32.msk $0xffff, v1  }
0x155: {  	[hbm4b:s11+s18] =	stream.strided.scatter [tilespmem:s25], [sflag:$0x3], $0x800, s19, s18, $0x38;
	[tilespmem:$0x5200] =	vst v63  }
0x156: {  	_ = 	snop  }
0x157: {  	[hbm4b:s12+s18] =	stream.strided.scatter [tilespmem:s26], [sflag:$0x3], $0x800, s19, s18, $0x38;
	[tilespmem:$0x5200] =	vst v63  }
0x158: {  	_ = 	snop  }
0x159: {  	[hbm4b:s13+s18] =	stream.strided.scatter [tilespmem:s28], [sflag:$0x3], $0x1000, s19, s18, $0x38;
	[tilespmem:$0x5200] =	vst v63  }
0x15a: {  	_ =	swait.ge [sflag:s29], $0x800  }
0x15b: {  	[sflag:s29] =	ssyncset.done $0x0  }
0x15c: {  	[sflag:s29] =	ssyncadd.s32 $0xFFFFF800  }
0x15d: {  	_ =	swait.ge [sflag:s29], $0x800  }
0x15e: {  	[sflag:s29] =	ssyncset.done $0x0  }
0x15f: {  	[sflag:s29] =	ssyncadd.s32 $0xFFFFF800  }
0x160: {  	_ =	swait.ge [sflag:s29], $0x1000  }
0x161: {  	[sflag:s29] =	ssyncset.done $0x0  }
0x162: {  	[sflag:s29] =	ssyncadd.s32 $0xFFFFF000  }
0x163: {  	_ =	swait.ge [sflag:s29], $0x800  }
0x164: {  	[sflag:s29] =	ssyncset.done $0x0  }
0x165: {  	s30 =	sadd.s32 $0x1, s30;
	[sflag:s29] =	ssyncadd.s32 $0xFFFFF800  }
0x166: {  	p0 =	sne.s32 s30, s14;
	_ =	swait.ge [sflag:s29], $0x800  }
.Ltmp4:
0x167: {  	[sflag:s29] =	ssyncset.done $0x0;
	(pc) =	sbr.rel @p0 .LBB2_1-.Ltmp4, $4  }
0x168: {  	[sflag:s29] =	ssyncadd.s32 $0xFFFFF800  }
0x169: {  	_ =	swait.ge [sflag:s29], $0x1000  }
0x16a: {  	[sflag:s29] =	ssyncset.done $0x0  }
0x16b: {  	[sflag:s29] =	ssyncadd.s32 $0xFFFFF000  }
0x16c: {  	_ =	sfence.sel $0x180000  }
0x16d: {  	[bflag:$0x0] =	sbarrier.arrive $0xFFFF  }
0x16e: {  	_ =	strace $0x90000047  }
0x16f: {  	s0 =	stileid.u32;
	[bflag:$0x2] =	sbarrier.arrive $0xFFFF  }
0x170: {  	p0 =	sne.s32 s0, $0x0;
	s0 =	rddreg [dreg:$0x4]  }
0x171: {  	s0 =	sadd.s32 @!p0 $0x100000, s0  }
0x172: {  	[sflag:s0] =	ssyncadd.tile.s32 @!p0 $0x1;
	_ =	shalt  }
.Lfunc_end2:
_tile_overlayer_lowered:
.L_overlay_start_2:
0x173: {  	(tag) =	ssettag $0x2  }
0x174: {  	s0 =	rddreg [dreg:$0x0];
	s2 =	stileid.u32  }
0x175: {  	s1 =	rddreg [dreg:$0x1];
	p0 =	sne.s32 s2, $0x0  }
0x176: {  	s3 =	rddreg [dreg:$0x2];
	[bflag:$0x3] =	sbarrier.arrive $0xFFFF;
	s2 =	simm.s32 @!p0 $0x1C04  }
0x177: {  	[timem:s3], [sflag:s2] =	dma.local @!p0 [hbm:s0], s1  }
0x178: {  	s0 =	simm.s32 @!p0 $0x4  }
0x179: {  	_ =	swait.ge @!p0 [sflag:s0], s1  }
0x17a: {  	s1 =	ssub.s32 @!p0 $0x0, s1;
	[sflag:s0] =	ssyncset.done @!p0 $0x0  }
0x17b: {  	[sflag:s0] =	ssyncadd.s32 @!p0 s1  }
0x17c: {  	[bflag:$0x3] =	sbarrier.arrive $0xFFFF  }
0x17d: {  	_ =	shalt  }

</sc_bundles>
